<compile_context>
chip_gen: v7x
topology: tpu7x:2x2x1
jax: 0.10.2.dev20260603
libtpu: 0.0.44.dev20260713+nightly
codegen_flags: <defaults>
</compile_context>

<pallas_src>
import functools
import math

import jax
import jax.numpy as jnp
from jax.experimental import pallas as pl
from jax.experimental.pallas import tpu as pltpu
from jax.experimental.pallas import tpu_sc as plsc

_B = 4
_L = 1024
_W = 32
_INC = 768
_OUTC = 512
_NS = 4
_CH = 384
_H = 8
_DH = 64
_T = 77
_E = 4


def _gelu_exact(x):
    return 0.5 * x * (1.0 + jax.lax.erf(x * (1.0 / math.sqrt(2.0))))


def _body(x0_ref, x1_ref, x2_ref, x3_ref, tf_ref, dcw_ref, dcb_ref,
          wtaps_ref, cvb_ref, proj_ref, n1w_ref, n1b_ref, n2w_ref, n2b_ref,
          wqT_ref, wk_ref, wv_ref, woT_ref, wob_ref, gw_ref, gb_ref,
          ew1_ref, eb1_ref, ew2_ref, eb2_ref, out_ref, eo_ref, f1_s,
          pooled_s):
    b = pl.program_id(0)
    g = pl.program_id(1)

    def stage1(base):
        acc = dcb_ref[...] * jnp.ones((1, _L), jnp.float32)
        for j, xr in enumerate((x0_ref, x1_ref, x2_ref, x3_ref)):
            xj = xr[0, 0].astype(jnp.bfloat16)
            wj = dcw_ref[:, base + j * _CH:base + (j + 1) * _CH].astype(
                jnp.bfloat16)
            acc = acc + jnp.dot(wj, xj, preferred_element_type=jnp.float32)
        return acc

    @pl.when((b < _B) & (g == 0))
    def _():
        f1_s[b % 2] = stage1(0)

    @pl.when((b < _B) & (g == 1))
    def _():
        f1_s[b % 2] += stage1(_NS * _CH)

    @pl.when((b > 0) & (g == 0))
    def _():
        f1 = f1_s[1 - b % 2].astype(jnp.bfloat16)

        lane = jax.lax.broadcasted_iota(jnp.int32, (1, _L), 1)
        p_ = lane // _W
        q_ = lane % _W
        acc = jnp.zeros((_OUTC, _L), jnp.float32)
        for grp in range(3):
            parts = []
            for t in range(3 * grp, 3 * grp + 3):
                a, c = t // 3, t % 3
                s = (a - 1) * _W + (c - 1)
                shifted = jnp.roll(f1, -s, axis=1) if s != 0 else f1
                valid = ((q_ + (c - 1) >= 0) & (q_ + (c - 1) < _W)
                         & (p_ + (a - 1) >= 0) & (p_ + (a - 1) < _W))
                parts.append(jnp.where(valid, shifted, jnp.bfloat16(0.0)))
            gmat = jnp.concatenate(parts, axis=0)
            wslice = wtaps_ref[:, grp * 3 * _INC:(grp + 1) * 3 * _INC]
            acc = acc + jnp.dot(wslice, gmat,
                                preferred_element_type=jnp.float32)
        f2 = jnp.maximum(acc + cvb_ref[...], 0.0)

        m = jnp.mean(f2, axis=0, keepdims=True)
        v = jnp.mean((f2 - m) ** 2, axis=0, keepdims=True)
        f_ln = (f2 - m) / jnp.sqrt(v + 1e-5) * n1w_ref[...] + n1b_ref[...]

        tf = tf_ref[0]
        ctx = jnp.dot(tf, proj_ref[...], preferred_element_type=jnp.float32)
        cm = jnp.mean(ctx, axis=1, keepdims=True)
        cv = jnp.mean((ctx - cm) ** 2, axis=1, keepdims=True)
        ctxn = (ctx - cm) / jnp.sqrt(cv + 1e-5) * n2w_ref[...] + n2b_ref[...]

        krm = jnp.dot(ctxn, wk_ref[...], preferred_element_type=jnp.float32)
        vrm = jnp.dot(ctxn, wv_ref[...], preferred_element_type=jnp.float32)
        qcm = jnp.dot(wqT_ref[...], f_ln, preferred_element_type=jnp.float32)

        scale = 1.0 / math.sqrt(_DH)
        outs = []
        for h in range(_H):
            kh = krm[:, h * _DH:(h + 1) * _DH]
            qh = qcm[h * _DH:(h + 1) * _DH, :]
            simT = jnp.dot(kh, qh, preferred_element_type=jnp.float32) * scale
            mx = jnp.max(simT, axis=0, keepdims=True)
            ex = jnp.exp(simT - mx)
            attnT = ex / jnp.sum(ex, axis=0, keepdims=True)
            vh = vrm[:, h * _DH:(h + 1) * _DH]
            oh = jax.lax.dot_general(vh, attnT, (((0,), (0,)), ((), ())),
                                     preferred_element_type=jnp.float32)
            outs.append(oh)
        ocm = jnp.concatenate(outs, axis=0)
        o2 = jnp.dot(woT_ref[...], ocm,
                     preferred_element_type=jnp.float32) + wob_ref[...]
        fsum = f_ln + o2

        ones_row = jnp.ones((1, _L), jnp.float32)
        prow = jax.lax.dot_general(ones_row, fsum, (((1,), (1,)), ((), ())),
                                   preferred_element_type=jnp.float32) / _L
        pooled_s[pl.ds(b - 1, 1), :] = prow

    @pl.when((b == _B) & (g == 0))
    def _():
        pooled = pooled_s[...]
        glog = jnp.dot(pooled, gw_ref[...],
                       preferred_element_type=jnp.float32) + gb_ref[...]

        eos = []
        for e in range(_E):
            hh = jnp.dot(pooled, ew1_ref[e],
                         preferred_element_type=jnp.float32) + eb1_ref[e]
            hh = _gelu_exact(hh)
            eo_e = jnp.dot(hh, ew2_ref[e],
                           preferred_element_type=jnp.float32) + eb2_ref[e]
            eos.append(eo_e)
        out_ref[...] = glog
        eo_ref[...] = jnp.concatenate(eos, axis=1)


def _sc_route(glog16, eo16):
    mesh = plsc.VectorSubcoreMesh(core_axis_name="c", subcore_axis_name="s")

    @functools.partial(
        pl.kernel, mesh=mesh,
        out_type=jax.ShapeDtypeStruct((16,), jnp.float32),
        scratch_types=[pltpu.VMEM((16,), jnp.float32),
                       pltpu.VMEM((16,), jnp.float32),
                       pltpu.VMEM((16,), jnp.float32)],
    )
    def _route(glog_hbm, eo_hbm, out_hbm, g_v, e_v, o_v):
        cid = jax.lax.axis_index("c")
        sid = jax.lax.axis_index("s")

        @pl.when((cid == 0) & (sid == 0))
        def _():
            pltpu.sync_copy(glog_hbm, g_v)
            pltpu.sync_copy(eo_hbm, e_v)
            g = g_v[...]
            eo = e_v[...]
            idx = jax.lax.broadcasted_iota(jnp.int32, (16,), 0)

            def bfly(x, op):
                x = op(x, jnp.take(x, idx ^ 1))
                return op(x, jnp.take(x, idx ^ 2))

            m = bfly(g, jnp.maximum)
            ex = jnp.exp(g - m)
            gs = ex / bfly(ex, jnp.add)
            gmin = bfly(gs, jnp.minimum)
            sel = jnp.where(gs <= gmin, idx, -1)
            excl = bfly(sel, jnp.maximum)
            t = jnp.where(idx != excl, gs * eo, jnp.float32(0.0))
            p = bfly(t, jnp.add)
            o_v[...] = jnp.take(p, (idx * 4) & 15)
            pltpu.sync_copy(o_v, out_hbm)

    return _route(glog16, eo16)


def kernel(x, text_features, dc_w, dc_b, conv_w, conv_b, proj, norm1_w,
           norm1_b, norm2_w, norm2_b, wq, wk, wv, wo, wo_b, gate_w, gate_b,
           e_w1, e_b1, e_w2, e_b2):
    B = x.shape[0]
    xr = x.reshape(B, 2 * _NS, _CH, _L)
    dcw = dc_w.reshape(_INC, _INC * 4)
    wtaps = conv_w.transpose(0, 2, 3, 1).reshape(_OUTC, 9 * _INC).astype(
        jnp.bfloat16)

    grid = (B + 1, 2)

    def const(*block):
        return pl.BlockSpec(block, lambda b, g: tuple(0 for _ in block))

    def xspec(j):
        return pl.BlockSpec(
            (1, 1, _CH, _L),
            lambda b, g, j=j: (jnp.minimum(b, _B - 1), g * _NS + j, 0, 0))

    in_specs = [
        xspec(0), xspec(1), xspec(2), xspec(3),
        pl.BlockSpec((1, _T, _INC),
                     lambda b, g: (jnp.maximum(b - 1, 0), 0, 0)),
        const(_INC, _INC * 4),
        const(_INC, 1),
        const(_OUTC, 9 * _INC),
        const(_OUTC, 1),
        const(_INC, _OUTC),
        const(_OUTC, 1), const(_OUTC, 1),
        const(1, _OUTC), const(1, _OUTC),
        const(_OUTC, _OUTC),
        const(_OUTC, _OUTC),
        const(_OUTC, _OUTC),
        const(_OUTC, _OUTC),
        const(_OUTC, 1),
        const(_OUTC, _E),
        const(1, _E),
        const(_E, _OUTC, _OUTC),
        const(_E, 1, _OUTC),
        const(_E, _OUTC, 1),
        const(_E, 1, 1),
    ]

    glog, eo = pl.pallas_call(
        _body,
        grid=grid,
        in_specs=in_specs,
        out_specs=[pl.BlockSpec((_B, _E), lambda b, g: (0, 0)),
                   pl.BlockSpec((_B, _E), lambda b, g: (0, 0))],
        out_shape=[jax.ShapeDtypeStruct((_B, _E), jnp.float32),
                   jax.ShapeDtypeStruct((_B, _E), jnp.float32)],
        scratch_shapes=[
            pltpu.VMEM((2, _INC, _L), jnp.float32),
            pltpu.VMEM((_B, _OUTC), jnp.float32),
        ],
    )(xr, xr, xr, xr, text_features, dcw, dc_b.reshape(_INC, 1), wtaps,
      conv_b.reshape(_OUTC, 1), proj, norm1_w.reshape(_OUTC, 1),
      norm1_b.reshape(_OUTC, 1), norm2_w.reshape(1, _OUTC),
      norm2_b.reshape(1, _OUTC), wq.T, wk, wv, wo.T, wo_b.reshape(_OUTC, 1),
      gate_w, gate_b.reshape(1, _E), e_w1, e_b1.reshape(_E, 1, _OUTC),
      e_w2, e_b2.reshape(_E, 1, 1))

    pred16 = _sc_route(glog.reshape(_B * _E), eo.reshape(_B * _E))
    return pred16[:_B].reshape(_B, 1)

# --- scband reference (transcript-rebuilt; emitter-appended) ---
"""Pipeline reference for scband-iqaregression-2628519985592 (READ-ONLY COPY).

The authoritative reference and input builder live on the scoring server;
editing this copy changes nothing except your own understanding.
"""

import jax, jax.numpy as jnp
import numpy as np
from jax import lax


def _ln(x, w, b, eps=1e-5):
    m = jnp.mean(x, axis=-1, keepdims=True)
    v = jnp.mean((x - m) ** 2, axis=-1, keepdims=True)
    return (x - m) / jnp.sqrt(v + eps) * w + b


def setup_inputs(seed: int = 0) -> dict:
    key = jax.random.key(seed)
    ks = jax.random.split(key, 24)
    B, W, H = 4, 32, 32
    inC, outC = 768, 512
    d = {}
    d['x'] = jax.random.normal(ks[0], (B, inC * 4, W, H), dtype=jnp.float32)
    d['text_features'] = jax.random.normal(ks[1], (B, 77, inC), dtype=jnp.float32)
    s = 0.02
    d['dc_w'] = jax.random.normal(ks[2], (inC, inC * 4, 1, 1), dtype=jnp.float32) * s
    d['dc_b'] = jnp.zeros((inC,), dtype=jnp.float32)
    d['conv_w'] = jax.random.normal(ks[3], (outC, inC, 3, 3), dtype=jnp.float32) * s
    d['conv_b'] = jnp.zeros((outC,), dtype=jnp.float32)
    d['proj'] = jax.random.normal(ks[4], (inC, outC), dtype=jnp.float32) * (inC ** -0.5)
    d['norm1_w'] = jnp.ones((outC,), dtype=jnp.float32)
    d['norm1_b'] = jnp.zeros((outC,), dtype=jnp.float32)
    d['norm2_w'] = jnp.ones((outC,), dtype=jnp.float32)
    d['norm2_b'] = jnp.zeros((outC,), dtype=jnp.float32)
    d['wq'] = jax.random.normal(ks[5], (outC, outC), dtype=jnp.float32) * s
    d['wk'] = jax.random.normal(ks[6], (outC, outC), dtype=jnp.float32) * s
    d['wv'] = jax.random.normal(ks[7], (outC, outC), dtype=jnp.float32) * s
    d['wo'] = jax.random.normal(ks[8], (outC, outC), dtype=jnp.float32) * s
    d['wo_b'] = jnp.zeros((outC,), dtype=jnp.float32)
    d['gate_w'] = jax.random.normal(ks[9], (outC, 4), dtype=jnp.float32) * s
    d['gate_b'] = jnp.zeros((4,), dtype=jnp.float32)
    d['e_w1'] = jax.random.normal(ks[10], (4, outC, outC), dtype=jnp.float32) * s
    d['e_b1'] = jnp.zeros((4, outC), dtype=jnp.float32)
    d['e_w2'] = jax.random.normal(ks[11], (4, outC, 1), dtype=jnp.float32) * s
    d['e_b2'] = jnp.zeros((4, 1), dtype=jnp.float32)
    return d


def reference(x, text_features, dc_w, dc_b, conv_w, conv_b, proj, norm1_w, norm1_b,
              norm2_w, norm2_b, wq, wk, wv, wo, wo_b, gate_w, gate_b,
              e_w1, e_b1, e_w2, e_b2):
    dn = ('NCHW', 'OIHW', 'NCHW')
    f = lax.conv_general_dilated(x, dc_w, (1, 1), 'VALID', dimension_numbers=dn)
    f = f + dc_b[None, :, None, None]
    f = lax.conv_general_dilated(f, conv_w, (1, 1), ((1, 1), (1, 1)), dimension_numbers=dn)
    f = jax.nn.relu(f + conv_b[None, :, None, None])
    B, C, W, H = f.shape
    L = W * H
    f = jnp.transpose(f.reshape(B, C, L), (0, 2, 1))  # [B, L, C]
    tf = text_features @ proj  # [B, T, 512]
    f = _ln(f, norm1_w, norm1_b)
    ctx = _ln(tf, norm2_w, norm2_b)
    h, dh = 8, 64
    scale = dh ** -0.5
    q = (f @ wq).reshape(B, L, h, dh).transpose(0, 2, 1, 3)
    k = (ctx @ wk).reshape(B, ctx.shape[1], h, dh).transpose(0, 2, 1, 3)
    v = (ctx @ wv).reshape(B, ctx.shape[1], h, dh).transpose(0, 2, 1, 3)
    sim = jnp.einsum('bhid,bhjd->bhij', q, k) * scale
    attn = jax.nn.softmax(sim, axis=-1)
    out = jnp.einsum('bhij,bhjd->bhid', attn, v)
    out = out.transpose(0, 2, 1, 3).reshape(B, L, h * dh)
    out = out @ wo + wo_b
    f = f + out
    f = jnp.transpose(f, (0, 2, 1)).reshape(B, C, W, H)
    pooled = jnp.mean(f, axis=(2, 3))  # [B, 512] (adaptive avg pool 1x1)
    g = jax.nn.softmax(pooled @ gate_w + gate_b, axis=1)  # [B, 4]
    vals, idx = lax.top_k(g, 3)
    hh = jax.nn.gelu(jnp.einsum('bd,edf->bef', pooled, e_w1) + e_b1[None], approximate=False)
    eo = jnp.einsum('bef,efo->beo', hh, e_w2) + e_b2[None]  # [B, 4, 1]
    preds = jnp.take_along_axis(eo, idx[:, :, None], axis=1)  # [B, 3, 1]
    pred = jnp.sum(preds * vals[:, :, None], axis=1)  # [B, 1]
    return pred

if __name__ == "__main__":
    import jax
    _d = setup_inputs()
    print(jax.jit(kernel)(*tuple(_d.values())))

</pallas_src>

<mosaic_0001>
#map = affine_map<(d0, d1) -> (0)>
module attributes {stable_mosaic.version = 14 : i64} {
  func.func @_route(%arg0: i32, %arg1: i32, %arg2: memref<16xf32, #tpu.memory_space<hbm>>, %arg3: memref<16xf32, #tpu.memory_space<hbm>>, %arg4: memref<16xf32, #tpu.memory_space<hbm>>, %arg5: memref<16xf32, #tpu.memory_space<vmem>>, %arg6: memref<16xf32, #tpu.memory_space<vmem>>, %arg7: memref<16xf32, #tpu.memory_space<vmem>>) attributes {dimension_semantics = [#tpu.dimension_semantics<core_parallel>, #tpu.dimension_semantics<subcore_parallel>], iteration_bounds = array<i64: 2, 16>, scalar_prefetch = 0 : i64, scratch_operands = 3 : i64, tpu.core_type = #tpu.core_type<sc_vector_subcore>, window_params = [{transform_indices = #map}, {transform_indices = #map}, {transform_indices = #map}]} {
    %eq3A = arith.constant 0 : i32
    %eq3A_0 = arith.cmpi eq, %arg0, %eq3A : i32
    %eq3A_1 = arith.constant 0 : i32
    %eq3A_2 = arith.cmpi eq, %arg1, %eq3A_1 : i32
    %and3A = arith.andi %eq3A_0, %eq3A_2 : i1
    %convert_element_type3A = arith.extui %and3A : i1 to i32
    %cond3A = arith.constant 0 : i32
    %cond3A_3 = arith.cmpi ne, %convert_element_type3A, %cond3A : i32
    scf.if %cond3A_3 {
      "tpu.region"() ({
        %run_scoped3A = tpu.sem_alloc : memref<!tpu.dma_semaphore, #tpu.memory_space<semaphore_mem>>
        tpu.enqueue_dma source(%arg2 : memref<16xf32, #tpu.memory_space<hbm>>) target(%arg5 : memref<16xf32, #tpu.memory_space<vmem>>) target_semaphore(%run_scoped3A : memref<!tpu.dma_semaphore, #tpu.memory_space<semaphore_mem>>)
        tpu.wait_dma2 semaphore(%run_scoped3A : memref<!tpu.dma_semaphore, #tpu.memory_space<semaphore_mem>>) src(%arg2 : memref<16xf32, #tpu.memory_space<hbm>>) dst(%arg5 : memref<16xf32, #tpu.memory_space<vmem>>)
        tpu.yield
      }) : () -> ()
      "tpu.region"() ({
        %run_scoped3A = tpu.sem_alloc : memref<!tpu.dma_semaphore, #tpu.memory_space<semaphore_mem>>
        tpu.enqueue_dma source(%arg3 : memref<16xf32, #tpu.memory_space<hbm>>) target(%arg6 : memref<16xf32, #tpu.memory_space<vmem>>) target_semaphore(%run_scoped3A : memref<!tpu.dma_semaphore, #tpu.memory_space<semaphore_mem>>)
        tpu.wait_dma2 semaphore(%run_scoped3A : memref<!tpu.dma_semaphore, #tpu.memory_space<semaphore_mem>>) src(%arg3 : memref<16xf32, #tpu.memory_space<hbm>>) dst(%arg6 : memref<16xf32, #tpu.memory_space<vmem>>)
        tpu.yield
      }) : () -> ()
      %get3A = arith.constant 0 : index
      %get3A_4 = tpu.vector_load %arg5[%get3A] {strides = array<i32>} : memref<16xf32, #tpu.memory_space<vmem>>, vector<16xf32>,
      %get3A_5 = vector.shape_cast %get3A_4 : vector<16xf32> to vector<16xf32>
      %get3A_6 = arith.constant 0 : index
      %get3A_7 = tpu.vector_load %arg6[%get3A_6] {strides = array<i32>} : memref<16xf32, #tpu.memory_space<vmem>>, vector<16xf32>,
      %get3A_8 = vector.shape_cast %get3A_7 : vector<16xf32> to vector<16xf32>
      %iota3A = tpu.iota {dimensions = array<i32: 0>} : vector<16xi32>
      %xor3A = arith.constant 1 : i32
      %xor3A_9 = vector.broadcast %xor3A : i32 to vector<16xi32>
      %xor3A_10 = arith.xori %iota3A, %xor3A_9 : vector<16xi32>
      %lt3A = arith.constant 0 : i32
      %lt3A_11 = vector.broadcast %lt3A : i32 to vector<16xi32>
      %lt3A_12 = arith.cmpi slt, %xor3A_10, %lt3A_11 : vector<16xi32>
      %add3A = arith.constant 16 : i32
      %add3A_13 = vector.broadcast %add3A : i32 to vector<16xi32>
      %add3A_14 = arith.addi %xor3A_10, %add3A_13 : vector<16xi32>
      %select_n3A = arith.select %lt3A_12, %add3A_14, %xor3A_10 : vector<16xi1>, vector<16xi32>
      %broadcast_in_dim3A = vector.shape_cast %select_n3A : vector<16xi32> to vector<16x1xi32>
      %gather3A = vector.shape_cast %broadcast_in_dim3A : vector<16x1xi32> to vector<16xi32>
      %gather3A_15 = tpu.dynamic_gather %get3A_5[%gather3A] in [0] : vector<16xf32>, vector<16xi32> -> vector<16xf32>
      %max3A = arith.maximumf %get3A_5, %gather3A_15 : vector<16xf32>
      %xor3A_16 = arith.constant 2 : i32
      %xor3A_17 = vector.broadcast %xor3A_16 : i32 to vector<16xi32>
      %xor3A_18 = arith.xori %iota3A, %xor3A_17 : vector<16xi32>
      %lt3A_19 = arith.constant 0 : i32
      %lt3A_20 = vector.broadcast %lt3A_19 : i32 to vector<16xi32>
      %lt3A_21 = arith.cmpi slt, %xor3A_18, %lt3A_20 : vector<16xi32>
      %add3A_22 = arith.constant 16 : i32
      %add3A_23 = vector.broadcast %add3A_22 : i32 to vector<16xi32>
      %add3A_24 = arith.addi %xor3A_18, %add3A_23 : vector<16xi32>
      %select_n3A_25 = arith.select %lt3A_21, %add3A_24, %xor3A_18 : vector<16xi1>, vector<16xi32>
      %broadcast_in_dim3A_26 = vector.shape_cast %select_n3A_25 : vector<16xi32> to vector<16x1xi32>
      %gather3A_27 = vector.shape_cast %broadcast_in_dim3A_26 : vector<16x1xi32> to vector<16xi32>
      %gather3A_28 = tpu.dynamic_gather %max3A[%gather3A_27] in [0] : vector<16xf32>, vector<16xi32> -> vector<16xf32>
      %max3A_29 = arith.maximumf %max3A, %gather3A_28 : vector<16xf32>
      %sub3A = arith.subf %get3A_5, %max3A_29 : vector<16xf32>
      %exp3A = math.exp %sub3A : vector<16xf32>
      %xor3A_30 = arith.constant 1 : i32
      %xor3A_31 = vector.broadcast %xor3A_30 : i32 to vector<16xi32>
      %xor3A_32 = arith.xori %iota3A, %xor3A_31 : vector<16xi32>
      %lt3A_33 = arith.constant 0 : i32
      %lt3A_34 = vector.broadcast %lt3A_33 : i32 to vector<16xi32>
      %lt3A_35 = arith.cmpi slt, %xor3A_32, %lt3A_34 : vector<16xi32>
      %add3A_36 = arith.constant 16 : i32
      %add3A_37 = vector.broadcast %add3A_36 : i32 to vector<16xi32>
      %add3A_38 = arith.addi %xor3A_32, %add3A_37 : vector<16xi32>
      %select_n3A_39 = arith.select %lt3A_35, %add3A_38, %xor3A_32 : vector<16xi1>, vector<16xi32>
      %broadcast_in_dim3A_40 = vector.shape_cast %select_n3A_39 : vector<16xi32> to vector<16x1xi32>
      %gather3A_41 = vector.shape_cast %broadcast_in_dim3A_40 : vector<16x1xi32> to vector<16xi32>
      %gather3A_42 = tpu.dynamic_gather %exp3A[%gather3A_41] in [0] : vector<16xf32>, vector<16xi32> -> vector<16xf32>
      %add3A_43 = arith.addf %exp3A, %gather3A_42 : vector<16xf32>
      %xor3A_44 = arith.constant 2 : i32
      %xor3A_45 = vector.broadcast %xor3A_44 : i32 to vector<16xi32>
      %xor3A_46 = arith.xori %iota3A, %xor3A_45 : vector<16xi32>
      %lt3A_47 = arith.constant 0 : i32
      %lt3A_48 = vector.broadcast %lt3A_47 : i32 to vector<16xi32>
      %lt3A_49 = arith.cmpi slt, %xor3A_46, %lt3A_48 : vector<16xi32>
      %add3A_50 = arith.constant 16 : i32
      %add3A_51 = vector.broadcast %add3A_50 : i32 to vector<16xi32>
      %add3A_52 = arith.addi %xor3A_46, %add3A_51 : vector<16xi32>
      %select_n3A_53 = arith.select %lt3A_49, %add3A_52, %xor3A_46 : vector<16xi1>, vector<16xi32>
      %broadcast_in_dim3A_54 = vector.shape_cast %select_n3A_53 : vector<16xi32> to vector<16x1xi32>
      %gather3A_55 = vector.shape_cast %broadcast_in_dim3A_54 : vector<16x1xi32> to vector<16xi32>
      %gather3A_56 = tpu.dynamic_gather %add3A_43[%gather3A_55] in [0] : vector<16xf32>, vector<16xi32> -> vector<16xf32>
      %add3A_57 = arith.addf %add3A_43, %gather3A_56 : vector<16xf32>
      %div3A = arith.divf %exp3A, %add3A_57 : vector<16xf32>
      %xor3A_58 = arith.constant 1 : i32
      %xor3A_59 = vector.broadcast %xor3A_58 : i32 to vector<16xi32>
      %xor3A_60 = arith.xori %iota3A, %xor3A_59 : vector<16xi32>
      %lt3A_61 = arith.constant 0 : i32
      %lt3A_62 = vector.broadcast %lt3A_61 : i32 to vector<16xi32>
      %lt3A_63 = arith.cmpi slt, %xor3A_60, %lt3A_62 : vector<16xi32>
      %add3A_64 = arith.constant 16 : i32
      %add3A_65 = vector.broadcast %add3A_64 : i32 to vector<16xi32>
      %add3A_66 = arith.addi %xor3A_60, %add3A_65 : vector<16xi32>
      %select_n3A_67 = arith.select %lt3A_63, %add3A_66, %xor3A_60 : vector<16xi1>, vector<16xi32>
      %broadcast_in_dim3A_68 = vector.shape_cast %select_n3A_67 : vector<16xi32> to vector<16x1xi32>
      %gather3A_69 = vector.shape_cast %broadcast_in_dim3A_68 : vector<16x1xi32> to vector<16xi32>
      %gather3A_70 = tpu.dynamic_gather %div3A[%gather3A_69] in [0] : vector<16xf32>, vector<16xi32> -> vector<16xf32>
      %min3A = arith.minimumf %div3A, %gather3A_70 : vector<16xf32>
      %xor3A_71 = arith.constant 2 : i32
      %xor3A_72 = vector.broadcast %xor3A_71 : i32 to vector<16xi32>
      %xor3A_73 = arith.xori %iota3A, %xor3A_72 : vector<16xi32>
      %lt3A_74 = arith.constant 0 : i32
      %lt3A_75 = vector.broadcast %lt3A_74 : i32 to vector<16xi32>
      %lt3A_76 = arith.cmpi slt, %xor3A_73, %lt3A_75 : vector<16xi32>
      %add3A_77 = arith.constant 16 : i32
      %add3A_78 = vector.broadcast %add3A_77 : i32 to vector<16xi32>
      %add3A_79 = arith.addi %xor3A_73, %add3A_78 : vector<16xi32>
      %select_n3A_80 = arith.select %lt3A_76, %add3A_79, %xor3A_73 : vector<16xi1>, vector<16xi32>
      %broadcast_in_dim3A_81 = vector.shape_cast %select_n3A_80 : vector<16xi32> to vector<16x1xi32>
      %gather3A_82 = vector.shape_cast %broadcast_in_dim3A_81 : vector<16x1xi32> to vector<16xi32>
      %gather3A_83 = tpu.dynamic_gather %min3A[%gather3A_82] in [0] : vector<16xf32>, vector<16xi32> -> vector<16xf32>
      %min3A_84 = arith.minimumf %min3A, %gather3A_83 : vector<16xf32>
      %le3A = arith.cmpf ole, %div3A, %min3A_84 : vector<16xf32>
      %jit3A = arith.constant -1 : i32
      %broadcast_in_dim3A_85 = vector.broadcast %jit3A : i32 to vector<16xi32>
      %select_n3A_86 = arith.select %le3A, %iota3A, %broadcast_in_dim3A_85 : vector<16xi1>, vector<16xi32>
      %xor3A_87 = arith.constant 1 : i32
      %xor3A_88 = vector.broadcast %xor3A_87 : i32 to vector<16xi32>
      %xor3A_89 = arith.xori %iota3A, %xor3A_88 : vector<16xi32>
      %lt3A_90 = arith.constant 0 : i32
      %lt3A_91 = vector.broadcast %lt3A_90 : i32 to vector<16xi32>
      %lt3A_92 = arith.cmpi slt, %xor3A_89, %lt3A_91 : vector<16xi32>
      %add3A_93 = arith.constant 16 : i32
      %add3A_94 = vector.broadcast %add3A_93 : i32 to vector<16xi32>
      %add3A_95 = arith.addi %xor3A_89, %add3A_94 : vector<16xi32>
      %select_n3A_96 = arith.select %lt3A_92, %add3A_95, %xor3A_89 : vector<16xi1>, vector<16xi32>
      %broadcast_in_dim3A_97 = vector.shape_cast %select_n3A_96 : vector<16xi32> to vector<16x1xi32>
      %gather3A_98 = vector.shape_cast %broadcast_in_dim3A_97 : vector<16x1xi32> to vector<16xi32>
      %gather3A_99 = tpu.dynamic_gather %select_n3A_86[%gather3A_98] in [0] : vector<16xi32>, vector<16xi32> -> vector<16xi32>
      %max3A_100 = arith.maxsi %select_n3A_86, %gather3A_99 : vector<16xi32>
      %xor3A_101 = arith.constant 2 : i32
      %xor3A_102 = vector.broadcast %xor3A_101 : i32 to vector<16xi32>
      %xor3A_103 = arith.xori %iota3A, %xor3A_102 : vector<16xi32>
      %lt3A_104 = arith.constant 0 : i32
      %lt3A_105 = vector.broadcast %lt3A_104 : i32 to vector<16xi32>
      %lt3A_106 = arith.cmpi slt, %xor3A_103, %lt3A_105 : vector<16xi32>
      %add3A_107 = arith.constant 16 : i32
      %add3A_108 = vector.broadcast %add3A_107 : i32 to vector<16xi32>
      %add3A_109 = arith.addi %xor3A_103, %add3A_108 : vector<16xi32>
      %select_n3A_110 = arith.select %lt3A_106, %add3A_109, %xor3A_103 : vector<16xi1>, vector<16xi32>
      %broadcast_in_dim3A_111 = vector.shape_cast %select_n3A_110 : vector<16xi32> to vector<16x1xi32>
      %gather3A_112 = vector.shape_cast %broadcast_in_dim3A_111 : vector<16x1xi32> to vector<16xi32>
      %gather3A_113 = tpu.dynamic_gather %max3A_100[%gather3A_112] in [0] : vector<16xi32>, vector<16xi32> -> vector<16xi32>
      %max3A_114 = arith.maxsi %max3A_100, %gather3A_113 : vector<16xi32>
      %ne3A = arith.cmpi ne, %iota3A, %max3A_114 : vector<16xi32>
      %mul3A = arith.mulf %div3A, %get3A_8 : vector<16xf32>
      %jit3A_115 = arith.constant 0.000000e+00 : f32
      %broadcast_in_dim3A_116 = vector.broadcast %jit3A_115 : f32 to vector<16xf32>
      %select_n3A_117 = arith.select %ne3A, %mul3A, %broadcast_in_dim3A_116 : vector<16xi1>, vector<16xf32>
      %xor3A_118 = arith.constant 1 : i32
      %xor3A_119 = vector.broadcast %xor3A_118 : i32 to vector<16xi32>
      %xor3A_120 = arith.xori %iota3A, %xor3A_119 : vector<16xi32>
      %lt3A_121 = arith.constant 0 : i32
      %lt3A_122 = vector.broadcast %lt3A_121 : i32 to vector<16xi32>
      %lt3A_123 = arith.cmpi slt, %xor3A_120, %lt3A_122 : vector<16xi32>
      %add3A_124 = arith.constant 16 : i32
      %add3A_125 = vector.broadcast %add3A_124 : i32 to vector<16xi32>
      %add3A_126 = arith.addi %xor3A_120, %add3A_125 : vector<16xi32>
      %select_n3A_127 = arith.select %lt3A_123, %add3A_126, %xor3A_120 : vector<16xi1>, vector<16xi32>
      %broadcast_in_dim3A_128 = vector.shape_cast %select_n3A_127 : vector<16xi32> to vector<16x1xi32>
      %gather3A_129 = vector.shape_cast %broadcast_in_dim3A_128 : vector<16x1xi32> to vector<16xi32>
      %gather3A_130 = tpu.dynamic_gather %select_n3A_117[%gather3A_129] in [0] : vector<16xf32>, vector<16xi32> -> vector<16xf32>
      %add3A_131 = arith.addf %select_n3A_117, %gather3A_130 : vector<16xf32>
      %xor3A_132 = arith.constant 2 : i32
      %xor3A_133 = vector.broadcast %xor3A_132 : i32 to vector<16xi32>
      %xor3A_134 = arith.xori %iota3A, %xor3A_133 : vector<16xi32>
      %lt3A_135 = arith.constant 0 : i32
      %lt3A_136 = vector.broadcast %lt3A_135 : i32 to vector<16xi32>
      %lt3A_137 = arith.cmpi slt, %xor3A_134, %lt3A_136 : vector<16xi32>
      %add3A_138 = arith.constant 16 : i32
      %add3A_139 = vector.broadcast %add3A_138 : i32 to vector<16xi32>
      %add3A_140 = arith.addi %xor3A_134, %add3A_139 : vector<16xi32>
      %select_n3A_141 = arith.select %lt3A_137, %add3A_140, %xor3A_134 : vector<16xi1>, vector<16xi32>
      %broadcast_in_dim3A_142 = vector.shape_cast %select_n3A_141 : vector<16xi32> to vector<16x1xi32>
      %gather3A_143 = vector.shape_cast %broadcast_in_dim3A_142 : vector<16x1xi32> to vector<16xi32>
      %gather3A_144 = tpu.dynamic_gather %add3A_131[%gather3A_143] in [0] : vector<16xf32>, vector<16xi32> -> vector<16xf32>
      %add3A_145 = arith.addf %add3A_131, %gather3A_144 : vector<16xf32>
      %mul3A_146 = arith.constant 4 : i32
      %mul3A_147 = vector.broadcast %mul3A_146 : i32 to vector<16xi32>
      %mul3A_148 = arith.muli %iota3A, %mul3A_147 : vector<16xi32>
      %and3A_149 = arith.constant 15 : i32
      %and3A_150 = vector.broadcast %and3A_149 : i32 to vector<16xi32>
      %and3A_151 = arith.andi %mul3A_148, %and3A_150 : vector<16xi32>
      %lt3A_152 = arith.constant 0 : i32
      %lt3A_153 = vector.broadcast %lt3A_152 : i32 to vector<16xi32>
      %lt3A_154 = arith.cmpi slt, %and3A_151, %lt3A_153 : vector<16xi32>
      %add3A_155 = arith.constant 16 : i32
      %add3A_156 = vector.broadcast %add3A_155 : i32 to vector<16xi32>
      %add3A_157 = arith.addi %and3A_151, %add3A_156 : vector<16xi32>
      %select_n3A_158 = arith.select %lt3A_154, %add3A_157, %and3A_151 : vector<16xi1>, vector<16xi32>
      %broadcast_in_dim3A_159 = vector.shape_cast %select_n3A_158 : vector<16xi32> to vector<16x1xi32>
      %gather3A_160 = vector.shape_cast %broadcast_in_dim3A_159 : vector<16x1xi32> to vector<16xi32>
      %gather3A_161 = tpu.dynamic_gather %add3A_145[%gather3A_160] in [0] : vector<16xf32>, vector<16xi32> -> vector<16xf32>
      %swap3A = arith.constant 0 : index
      %swap3A_162 = tpu.vector_load %arg7[%swap3A] {strides = array<i32>} : memref<16xf32, #tpu.memory_space<vmem>>, vector<16xf32>,
      %swap3A_163 = vector.shape_cast %swap3A_162 : vector<16xf32> to vector<16xf32>
      %swap3A_164 = vector.shape_cast %gather3A_161 : vector<16xf32> to vector<16xf32>
      tpu.vector_store %arg7[%swap3A], %swap3A_164 {strides = array<i32>} : memref<16xf32, #tpu.memory_space<vmem>>, vector<16xf32>,
      "tpu.region"() ({
        %run_scoped3A = tpu.sem_alloc : memref<!tpu.dma_semaphore, #tpu.memory_space<semaphore_mem>>
        tpu.enqueue_dma source(%arg7 : memref<16xf32, #tpu.memory_space<vmem>>) target(%arg4 : memref<16xf32, #tpu.memory_space<hbm>>) target_semaphore(%run_scoped3A : memref<!tpu.dma_semaphore, #tpu.memory_space<semaphore_mem>>)
        tpu.wait_dma2 semaphore(%run_scoped3A : memref<!tpu.dma_semaphore, #tpu.memory_space<semaphore_mem>>) src(%arg7 : memref<16xf32, #tpu.memory_space<vmem>>) dst(%arg4 : memref<16xf32, #tpu.memory_space<hbm>>)
        tpu.yield
      }) : () -> ()
    } else {
    }
    return
  }
}

module attributes {stable_mosaic.version = 14 : i64} {
  func.func @_body(%arg0: i32, %arg1: i32, %arg2: memref<1x1x384x1024xf32, #tpu.memory_space<vmem>>, %arg3: memref<1x1x384x1024xf32, #tpu.memory_space<vmem>>, %arg4: memref<1x1x384x1024xf32, #tpu.memory_space<vmem>>, %arg5: memref<1x1x384x1024xf32, #tpu.memory_space<vmem>>, %arg6: memref<1x77x768xf32, #tpu.memory_space<vmem>>, %arg7: memref<768x3072xf32, #tpu.memory_space<vmem>>, %arg8: memref<768x1xf32, #tpu.memory_space<vmem>>, %arg9: memref<512x6912xbf16, #tpu.memory_space<vmem>>, %arg10: memref<512x1xf32, #tpu.memory_space<vmem>>, %arg11: memref<768x512xf32, #tpu.memory_space<vmem>>, %arg12: memref<512x1xf32, #tpu.memory_space<vmem>>, %arg13: memref<512x1xf32, #tpu.memory_space<vmem>>, %arg14: memref<1x512xf32, #tpu.memory_space<vmem>>, %arg15: memref<1x512xf32, #tpu.memory_space<vmem>>, %arg16: memref<512x512xf32, #tpu.memory_space<vmem>>, %arg17: memref<512x512xf32, #tpu.memory_space<vmem>>, %arg18: memref<512x512xf32, #tpu.memory_space<vmem>>, %arg19: memref<512x512xf32, #tpu.memory_space<vmem>>, %arg20: memref<512x1xf32, #tpu.memory_space<vmem>>, %arg21: memref<512x4xf32, #tpu.memory_space<vmem>>, %arg22: memref<1x4xf32, #tpu.memory_space<vmem>>, %arg23: memref<4x512x512xf32, #tpu.memory_space<vmem>>, %arg24: memref<4x1x512xf32, #tpu.memory_space<vmem>>, %arg25: memref<4x512x1xf32, #tpu.memory_space<vmem>>, %arg26: memref<4x1x1xf32, #tpu.memory_space<vmem>>, %arg27: memref<4x4xf32, #tpu.memory_space<vmem>>, %arg28: memref<4x4xf32, #tpu.memory_space<vmem>>, %arg29: memref<2x768x1024xf32, #tpu.memory_space<vmem>>, %arg30: memref<4x512xf32, #tpu.memory_space<vmem>>) attributes {dimension_semantics = [#tpu.dimension_semantics<arbitrary>, #tpu.dimension_semantics<arbitrary>], iteration_bounds = array<i64: 5, 2>, scalar_prefetch = 0 : i64, scratch_operands = 2 : i64, tpu.core_type = #tpu.core_type<tc>, window_params = [{transform_indices = @transform_0, window_bounds = array<i64: 1, 1, 384, 1024>}, {transform_indices = @transform_1, window_bounds = array<i64: 1, 1, 384, 1024>}, {transform_indices = @transform_2, window_bounds = array<i64: 1, 1, 384, 1024>}, {transform_indices = @transform_3, window_bounds = array<i64: 1, 1, 384, 1024>}, {transform_indices = @transform_4, window_bounds = array<i64: 1, 77, 768>}, {pipeline_mode = #tpu.pipeline_mode<synchronous>, transform_indices = @transform_5, window_bounds = array<i64: 768, 3072>}, {pipeline_mode = #tpu.pipeline_mode<synchronous>, transform_indices = @transform_6, window_bounds = array<i64: 768, 1>}, {pipeline_mode = #tpu.pipeline_mode<synchronous>, transform_indices = @transform_7, window_bounds = array<i64: 512, 6912>}, {pipeline_mode = #tpu.pipeline_mode<synchronous>, transform_indices = @transform_8, window_bounds = array<i64: 512, 1>}, {pipeline_mode = #tpu.pipeline_mode<synchronous>, transform_indices = @transform_9, window_bounds = array<i64: 768, 512>}, {pipeline_mode = #tpu.pipeline_mode<synchronous>, transform_indices = @transform_10, window_bounds = array<i64: 512, 1>}, {pipeline_mode = #tpu.pipeline_mode<synchronous>, transform_indices = @transform_11, window_bounds = array<i64: 512, 1>}, {pipeline_mode = #tpu.pipeline_mode<synchronous>, transform_indices = @transform_12, window_bounds = array<i64: 1, 512>}, {pipeline_mode = #tpu.pipeline_mode<synchronous>, transform_indices = @transform_13, window_bounds = array<i64: 1, 512>}, {pipeline_mode = #tpu.pipeline_mode<synchronous>, transform_indices = @transform_14, window_bounds = array<i64: 512, 512>}, {pipeline_mode = #tpu.pipeline_mode<synchronous>, transform_indices = @transform_15, window_bounds = array<i64: 512, 512>}, {pipeline_mode = #tpu.pipeline_mode<synchronous>, transform_indices = @transform_16, window_bounds = array<i64: 512, 512>}, {pipeline_mode = #tpu.pipeline_mode<synchronous>, transform_indices = @transform_17, window_bounds = array<i64: 512, 512>}, {pipeline_mode = #tpu.pipeline_mode<synchronous>, transform_indices = @transform_18, window_bounds = array<i64: 512, 1>}, {pipeline_mode = #tpu.pipeline_mode<synchronous>, transform_indices = @transform_19, window_bounds = array<i64: 512, 4>}, {pipeline_mode = #tpu.pipeline_mode<synchronous>, transform_indices = @transform_20, window_bounds = array<i64: 1, 4>}, {pipeline_mode = #tpu.pipeline_mode<synchronous>, transform_indices = @transform_21, window_bounds = array<i64: 4, 512, 512>}, {pipeline_mode = #tpu.pipeline_mode<synchronous>, transform_indices = @transform_22, window_bounds = array<i64: 4, 1, 512>}, {pipeline_mode = #tpu.pipeline_mode<synchronous>, transform_indices = @transform_23, window_bounds = array<i64: 4, 512, 1>}, {pipeline_mode = #tpu.pipeline_mode<synchronous>, transform_indices = @transform_24, window_bounds = array<i64: 4, 1, 1>}, {pipeline_mode = #tpu.pipeline_mode<synchronous>, transform_indices = @transform_25, window_bounds = array<i64: 4, 4>}, {pipeline_mode = #tpu.pipeline_mode<synchronous>, transform_indices = @transform_26, window_bounds = array<i64: 4, 4>}]} {
    %lt3A = arith.constant 4 : i32
    %lt3A_0 = arith.cmpi slt, %arg0, %lt3A : i32
    %eq3A = arith.constant 0 : i32
    %eq3A_1 = arith.cmpi eq, %arg1, %eq3A : i32
    %and3A = arith.andi %lt3A_0, %eq3A_1 : i1
    %convert_element_type3A = arith.extui %and3A : i1 to i32
    %cond3A = arith.constant 0 : i32
    %cond3A_2 = arith.cmpi ne, %convert_element_type3A, %cond3A : i32
    scf.if %cond3A_2 {
      %get3A = arith.constant 0 : index
      %get3A_26 = arith.constant 0 : index
      %get3A_27 = vector.load %arg8[%get3A, %get3A_26] : memref<768x1xf32, #tpu.memory_space<vmem>>, vector<768x1xf32>
      %broadcast_in_dim3A = arith.constant 1.000000e+00 : f32
      %broadcast_in_dim3A_28 = vector.broadcast %broadcast_in_dim3A : f32 to vector<1x1024xf32>
      %mul3A = vector.broadcast %get3A_27 : vector<768x1xf32> to vector<768x1024xf32>
      %mul3A_29 = vector.broadcast %broadcast_in_dim3A_28 : vector<1x1024xf32> to vector<768x1024xf32>
      %mul3A_30 = arith.mulf %mul3A, %mul3A_29 : vector<768x1024xf32>
      %get3A_31 = arith.constant 0 : index
      %get3A_32 = arith.constant 0 : index
      %get3A_33 = arith.constant 0 : index
      %get3A_34 = arith.constant 0 : index
      %get3A_35 = vector.load %arg2[%get3A_31, %get3A_32, %get3A_33, %get3A_34] : memref<1x1x384x1024xf32, #tpu.memory_space<vmem>>, vector<1x1x384x1024xf32>
      %get3A_36 = vector.shape_cast %get3A_35 : vector<1x1x384x1024xf32> to vector<384x1024xf32>
      %convert_element_type3A_37 = arith.truncf %get3A_36 : vector<384x1024xf32> to vector<384x1024xbf16>
      %get3A_38 = arith.constant 0 : index
      %get3A_39 = arith.constant 0 : index
      %get3A_40 = vector.load %arg7[%get3A_38, %get3A_39] : memref<768x3072xf32, #tpu.memory_space<vmem>>, vector<768x384xf32>
      %convert_element_type3A_41 = arith.truncf %get3A_40 : vector<768x384xf32> to vector<768x384xbf16>
      %dot_general3A = arith.constant dense<0.000000e+00> : vector<768x1024xf32>
      %dot_general3A_42 = tpu.matmul %convert_element_type3A_41, %convert_element_type3A_37, %dot_general3A {dimension_numbers = #tpu.dot_dimension_numbers<[1], [0], [0], [1], [0, 0, 1, 1], [], []>, transpose_lhs_hint = false} : vector<768x384xbf16>, vector<384x1024xbf16>, vector<768x1024xf32> -> vector<768x1024xf32>
      %add3A = arith.addf %mul3A_30, %dot_general3A_42 : vector<768x1024xf32>
      %get3A_43 = arith.constant 0 : index
      %get3A_44 = arith.constant 0 : index
      %get3A_45 = arith.constant 0 : index
      %get3A_46 = arith.constant 0 : index
      %get3A_47 = vector.load %arg3[%get3A_43, %get3A_44, %get3A_45, %get3A_46] : memref<1x1x384x1024xf32, #tpu.memory_space<vmem>>, vector<1x1x384x1024xf32>
      %get3A_48 = vector.shape_cast %get3A_47 : vector<1x1x384x1024xf32> to vector<384x1024xf32>
      %convert_element_type3A_49 = arith.truncf %get3A_48 : vector<384x1024xf32> to vector<384x1024xbf16>
      %get3A_50 = arith.constant 0 : index
      %get3A_51 = arith.constant 384 : index
      %get3A_52 = vector.load %arg7[%get3A_50, %get3A_51] : memref<768x3072xf32, #tpu.memory_space<vmem>>, vector<768x384xf32>
      %convert_element_type3A_53 = arith.truncf %get3A_52 : vector<768x384xf32> to vector<768x384xbf16>
      %dot_general3A_54 = arith.constant dense<0.000000e+00> : vector<768x1024xf32>
      %dot_general3A_55 = tpu.matmul %convert_element_type3A_53, %convert_element_type3A_49, %dot_general3A_54 {dimension_numbers = #tpu.dot_dimension_numbers<[1], [0], [0], [1], [0, 0, 1, 1], [], []>, transpose_lhs_hint = false} : vector<768x384xbf16>, vector<384x1024xbf16>, vector<768x1024xf32> -> vector<768x1024xf32>
      %add3A_56 = arith.addf %add3A, %dot_general3A_55 : vector<768x1024xf32>
      %get3A_57 = arith.constant 0 : index
      %get3A_58 = arith.constant 0 : index
      %get3A_59 = arith.constant 0 : index
      %get3A_60 = arith.constant 0 : index
      %get3A_61 = vector.load %arg4[%get3A_57, %get3A_58, %get3A_59, %get3A_60] : memref<1x1x384x1024xf32, #tpu.memory_space<vmem>>, vector<1x1x384x1024xf32>
      %get3A_62 = vector.shape_cast %get3A_61 : vector<1x1x384x1024xf32> to vector<384x1024xf32>
      %convert_element_type3A_63 = arith.truncf %get3A_62 : vector<384x1024xf32> to vector<384x1024xbf16>
      %get3A_64 = arith.constant 0 : index
      %get3A_65 = arith.constant 768 : index
      %get3A_66 = vector.load %arg7[%get3A_64, %get3A_65] : memref<768x3072xf32, #tpu.memory_space<vmem>>, vector<768x384xf32>
      %convert_element_type3A_67 = arith.truncf %get3A_66 : vector<768x384xf32> to vector<768x384xbf16>
      %dot_general3A_68 = arith.constant dense<0.000000e+00> : vector<768x1024xf32>
      %dot_general3A_69 = tpu.matmul %convert_element_type3A_67, %convert_element_type3A_63, %dot_general3A_68 {dimension_numbers = #tpu.dot_dimension_numbers<[1], [0], [0], [1], [0, 0, 1, 1], [], []>, transpose_lhs_hint = false} : vector<768x384xbf16>, vector<384x1024xbf16>, vector<768x1024xf32> -> vector<768x1024xf32>
      %add3A_70 = arith.addf %add3A_56, %dot_general3A_69 : vector<768x1024xf32>
      %get3A_71 = arith.constant 0 : index
      %get3A_72 = arith.constant 0 : index
      %get3A_73 = arith.constant 0 : index
      %get3A_74 = arith.constant 0 : index
      %get3A_75 = vector.load %arg5[%get3A_71, %get3A_72, %get3A_73, %get3A_74] : memref<1x1x384x1024xf32, #tpu.memory_space<vmem>>, vector<1x1x384x1024xf32>
      %get3A_76 = vector.shape_cast %get3A_75 : vector<1x1x384x1024xf32> to vector<384x1024xf32>
      %convert_element_type3A_77 = arith.truncf %get3A_76 : vector<384x1024xf32> to vector<384x1024xbf16>
      %get3A_78 = arith.constant 0 : index
      %get3A_79 = arith.constant 1152 : index
      %get3A_80 = vector.load %arg7[%get3A_78, %get3A_79] : memref<768x3072xf32, #tpu.memory_space<vmem>>, vector<768x384xf32>
      %convert_element_type3A_81 = arith.truncf %get3A_80 : vector<768x384xf32> to vector<768x384xbf16>
      %dot_general3A_82 = arith.constant dense<0.000000e+00> : vector<768x1024xf32>
      %dot_general3A_83 = tpu.matmul %convert_element_type3A_81, %convert_element_type3A_77, %dot_general3A_82 {dimension_numbers = #tpu.dot_dimension_numbers<[1], [0], [0], [1], [0, 0, 1, 1], [], []>, transpose_lhs_hint = false} : vector<768x384xbf16>, vector<384x1024xbf16>, vector<768x1024xf32> -> vector<768x1024xf32>
      %add3A_84 = arith.addf %add3A_70, %dot_general3A_83 : vector<768x1024xf32>
      %jit3A = arith.constant 2 : i32
      %eq3A_85 = arith.constant 0 : i32
      %eq3A_86 = arith.cmpi eq, %jit3A, %eq3A_85 : i32
      %jit3A_87 = arith.constant 1 : i32
      %select_n3A = arith.select %eq3A_86, %jit3A_87, %jit3A : i32
      %rem3A = arith.remsi %arg0, %select_n3A : i32
      %ne3A = arith.constant 0 : i32
      %ne3A_88 = arith.cmpi ne, %rem3A, %ne3A : i32
      %lt3A_89 = arith.constant 0 : i32
      %lt3A_90 = arith.cmpi slt, %rem3A, %lt3A_89 : i32
      %lt3A_91 = arith.constant 0 : i32
      %lt3A_92 = arith.cmpi slt, %select_n3A, %lt3A_91 : i32
      %ne3A_93 = arith.xori %lt3A_90, %lt3A_92 : i1
      %and3A_94 = arith.andi %ne3A_93, %ne3A_88 : i1
      %add3A_95 = arith.addi %rem3A, %select_n3A : i32
      %select_n3A_96 = arith.select %and3A_94, %add3A_95, %rem3A : i32
      %swap3A = arith.index_cast %select_n3A_96 : i32 to index
      %swap3A_97 = arith.constant 0 : index
      %swap3A_98 = arith.constant 0 : index
      %swap3A_99 = vector.load %arg29[%swap3A, %swap3A_97, %swap3A_98] : memref<2x768x1024xf32, #tpu.memory_space<vmem>>, vector<1x768x1024xf32>
      %swap3A_100 = vector.shape_cast %swap3A_99 : vector<1x768x1024xf32> to vector<768x1024xf32>
      %swap3A_101 = vector.shape_cast %add3A_84 : vector<768x1024xf32> to vector<1x768x1024xf32>
      tpu.vector_store %arg29[%swap3A, %swap3A_97, %swap3A_98], %swap3A_101 {strides = array<i32>} : memref<2x768x1024xf32, #tpu.memory_space<vmem>>, vector<1x768x1024xf32>,
    } else {
    }
    %lt3A_3 = arith.constant 4 : i32
    %lt3A_4 = arith.cmpi slt, %arg0, %lt3A_3 : i32
    %eq3A_5 = arith.constant 1 : i32
    %eq3A_6 = arith.cmpi eq, %arg1, %eq3A_5 : i32
    %and3A_7 = arith.andi %lt3A_4, %eq3A_6 : i1
    %convert_element_type3A_8 = arith.extui %and3A_7 : i1 to i32
    %cond3A_9 = arith.constant 0 : i32
    %cond3A_10 = arith.cmpi ne, %convert_element_type3A_8, %cond3A_9 : i32
    scf.if %cond3A_10 {
      %jit3A = arith.constant 2 : i32
      %eq3A_26 = arith.constant 0 : i32
      %eq3A_27 = arith.cmpi eq, %jit3A, %eq3A_26 : i32
      %jit3A_28 = arith.constant 1 : i32
      %select_n3A = arith.select %eq3A_27, %jit3A_28, %jit3A : i32
      %rem3A = arith.remsi %arg0, %select_n3A : i32
      %ne3A = arith.constant 0 : i32
      %ne3A_29 = arith.cmpi ne, %rem3A, %ne3A : i32
      %lt3A_30 = arith.constant 0 : i32
      %lt3A_31 = arith.cmpi slt, %rem3A, %lt3A_30 : i32
      %lt3A_32 = arith.constant 0 : i32
      %lt3A_33 = arith.cmpi slt, %select_n3A, %lt3A_32 : i32
      %ne3A_34 = arith.xori %lt3A_31, %lt3A_33 : i1
      %and3A_35 = arith.andi %ne3A_34, %ne3A_29 : i1
      %add3A = arith.addi %rem3A, %select_n3A : i32
      %select_n3A_36 = arith.select %and3A_35, %add3A, %rem3A : i32
      %get3A = arith.index_cast %select_n3A_36 : i32 to index
      %get3A_37 = arith.constant 0 : index
      %get3A_38 = arith.constant 0 : index
      %get3A_39 = vector.load %arg29[%get3A, %get3A_37, %get3A_38] : memref<2x768x1024xf32, #tpu.memory_space<vmem>>, vector<1x768x1024xf32>
      %get3A_40 = vector.shape_cast %get3A_39 : vector<1x768x1024xf32> to vector<768x1024xf32>
      %get3A_41 = arith.constant 0 : index
      %get3A_42 = arith.constant 0 : index
      %get3A_43 = vector.load %arg8[%get3A_41, %get3A_42] : memref<768x1xf32, #tpu.memory_space<vmem>>, vector<768x1xf32>
      %broadcast_in_dim3A = arith.constant 1.000000e+00 : f32
      %broadcast_in_dim3A_44 = vector.broadcast %broadcast_in_dim3A : f32 to vector<1x1024xf32>
      %mul3A = vector.broadcast %get3A_43 : vector<768x1xf32> to vector<768x1024xf32>
      %mul3A_45 = vector.broadcast %broadcast_in_dim3A_44 : vector<1x1024xf32> to vector<768x1024xf32>
      %mul3A_46 = arith.mulf %mul3A, %mul3A_45 : vector<768x1024xf32>
      %get3A_47 = arith.constant 0 : index
      %get3A_48 = arith.constant 0 : index
      %get3A_49 = arith.constant 0 : index
      %get3A_50 = arith.constant 0 : index
      %get3A_51 = vector.load %arg2[%get3A_47, %get3A_48, %get3A_49, %get3A_50] : memref<1x1x384x1024xf32, #tpu.memory_space<vmem>>, vector<1x1x384x1024xf32>
      %get3A_52 = vector.shape_cast %get3A_51 : vector<1x1x384x1024xf32> to vector<384x1024xf32>
      %convert_element_type3A_53 = arith.truncf %get3A_52 : vector<384x1024xf32> to vector<384x1024xbf16>
      %get3A_54 = arith.constant 0 : index
      %get3A_55 = arith.constant 1536 : index
      %get3A_56 = vector.load %arg7[%get3A_54, %get3A_55] : memref<768x3072xf32, #tpu.memory_space<vmem>>, vector<768x384xf32>
      %convert_element_type3A_57 = arith.truncf %get3A_56 : vector<768x384xf32> to vector<768x384xbf16>
      %dot_general3A = arith.constant dense<0.000000e+00> : vector<768x1024xf32>
      %dot_general3A_58 = tpu.matmul %convert_element_type3A_57, %convert_element_type3A_53, %dot_general3A {dimension_numbers = #tpu.dot_dimension_numbers<[1], [0], [0], [1], [0, 0, 1, 1], [], []>, transpose_lhs_hint = false} : vector<768x384xbf16>, vector<384x1024xbf16>, vector<768x1024xf32> -> vector<768x1024xf32>
      %add3A_59 = arith.addf %mul3A_46, %dot_general3A_58 : vector<768x1024xf32>
      %get3A_60 = arith.constant 0 : index
      %get3A_61 = arith.constant 0 : index
      %get3A_62 = arith.constant 0 : index
      %get3A_63 = arith.constant 0 : index
      %get3A_64 = vector.load %arg3[%get3A_60, %get3A_61, %get3A_62, %get3A_63] : memref<1x1x384x1024xf32, #tpu.memory_space<vmem>>, vector<1x1x384x1024xf32>
      %get3A_65 = vector.shape_cast %get3A_64 : vector<1x1x384x1024xf32> to vector<384x1024xf32>
      %convert_element_type3A_66 = arith.truncf %get3A_65 : vector<384x1024xf32> to vector<384x1024xbf16>
      %get3A_67 = arith.constant 0 : index
      %get3A_68 = arith.constant 1920 : index
      %get3A_69 = vector.load %arg7[%get3A_67, %get3A_68] : memref<768x3072xf32, #tpu.memory_space<vmem>>, vector<768x384xf32>
      %convert_element_type3A_70 = arith.truncf %get3A_69 : vector<768x384xf32> to vector<768x384xbf16>
      %dot_general3A_71 = arith.constant dense<0.000000e+00> : vector<768x1024xf32>
      %dot_general3A_72 = tpu.matmul %convert_element_type3A_70, %convert_element_type3A_66, %dot_general3A_71 {dimension_numbers = #tpu.dot_dimension_numbers<[1], [0], [0], [1], [0, 0, 1, 1], [], []>, transpose_lhs_hint = false} : vector<768x384xbf16>, vector<384x1024xbf16>, vector<768x1024xf32> -> vector<768x1024xf32>
      %add3A_73 = arith.addf %add3A_59, %dot_general3A_72 : vector<768x1024xf32>
      %get3A_74 = arith.constant 0 : index
      %get3A_75 = arith.constant 0 : index
      %get3A_76 = arith.constant 0 : index
      %get3A_77 = arith.constant 0 : index
      %get3A_78 = vector.load %arg4[%get3A_74, %get3A_75, %get3A_76, %get3A_77] : memref<1x1x384x1024xf32, #tpu.memory_space<vmem>>, vector<1x1x384x1024xf32>
      %get3A_79 = vector.shape_cast %get3A_78 : vector<1x1x384x1024xf32> to vector<384x1024xf32>
      %convert_element_type3A_80 = arith.truncf %get3A_79 : vector<384x1024xf32> to vector<384x1024xbf16>
      %get3A_81 = arith.constant 0 : index
      %get3A_82 = arith.constant 2304 : index
      %get3A_83 = vector.load %arg7[%get3A_81, %get3A_82] : memref<768x3072xf32, #tpu.memory_space<vmem>>, vector<768x384xf32>
      %convert_element_type3A_84 = arith.truncf %get3A_83 : vector<768x384xf32> to vector<768x384xbf16>
      %dot_general3A_85 = arith.constant dense<0.000000e+00> : vector<768x1024xf32>
      %dot_general3A_86 = tpu.matmul %convert_element_type3A_84, %convert_element_type3A_80, %dot_general3A_85 {dimension_numbers = #tpu.dot_dimension_numbers<[1], [0], [0], [1], [0, 0, 1, 1], [], []>, transpose_lhs_hint = false} : vector<768x384xbf16>, vector<384x1024xbf16>, vector<768x1024xf32> -> vector<768x1024xf32>
      %add3A_87 = arith.addf %add3A_73, %dot_general3A_86 : vector<768x1024xf32>
      %get3A_88 = arith.constant 0 : index
      %get3A_89 = arith.constant 0 : index
      %get3A_90 = arith.constant 0 : index
      %get3A_91 = arith.constant 0 : index
      %get3A_92 = vector.load %arg5[%get3A_88, %get3A_89, %get3A_90, %get3A_91] : memref<1x1x384x1024xf32, #tpu.memory_space<vmem>>, vector<1x1x384x1024xf32>
      %get3A_93 = vector.shape_cast %get3A_92 : vector<1x1x384x1024xf32> to vector<384x1024xf32>
      %convert_element_type3A_94 = arith.truncf %get3A_93 : vector<384x1024xf32> to vector<384x1024xbf16>
      %get3A_95 = arith.constant 0 : index
      %get3A_96 = arith.constant 2688 : index
      %get3A_97 = vector.load %arg7[%get3A_95, %get3A_96] : memref<768x3072xf32, #tpu.memory_space<vmem>>, vector<768x384xf32>
      %convert_element_type3A_98 = arith.truncf %get3A_97 : vector<768x384xf32> to vector<768x384xbf16>
      %dot_general3A_99 = arith.constant dense<0.000000e+00> : vector<768x1024xf32>
      %dot_general3A_100 = tpu.matmul %convert_element_type3A_98, %convert_element_type3A_94, %dot_general3A_99 {dimension_numbers = #tpu.dot_dimension_numbers<[1], [0], [0], [1], [0, 0, 1, 1], [], []>, transpose_lhs_hint = false} : vector<768x384xbf16>, vector<384x1024xbf16>, vector<768x1024xf32> -> vector<768x1024xf32>
      %add3A_101 = arith.addf %add3A_87, %dot_general3A_100 : vector<768x1024xf32>
      %add3A_102 = arith.addf %get3A_40, %add3A_101 : vector<768x1024xf32>
      %swap3A = arith.index_cast %select_n3A_36 : i32 to index
      %swap3A_103 = arith.constant 0 : index
      %swap3A_104 = arith.constant 0 : index
      %swap3A_105 = vector.load %arg29[%swap3A, %swap3A_103, %swap3A_104] : memref<2x768x1024xf32, #tpu.memory_space<vmem>>, vector<1x768x1024xf32>
      %swap3A_106 = vector.shape_cast %swap3A_105 : vector<1x768x1024xf32> to vector<768x1024xf32>
      %swap3A_107 = vector.shape_cast %add3A_102 : vector<768x1024xf32> to vector<1x768x1024xf32>
      tpu.vector_store %arg29[%swap3A, %swap3A_103, %swap3A_104], %swap3A_107 {strides = array<i32>} : memref<2x768x1024xf32, #tpu.memory_space<vmem>>, vector<1x768x1024xf32>,
    } else {
    }
    %gt3A = arith.constant 0 : i32
    %gt3A_11 = arith.cmpi sgt, %arg0, %gt3A : i32
    %eq3A_12 = arith.constant 0 : i32
    %eq3A_13 = arith.cmpi eq, %arg1, %eq3A_12 : i32
    %and3A_14 = arith.andi %gt3A_11, %eq3A_13 : i1
    %convert_element_type3A_15 = arith.extui %and3A_14 : i1 to i32
    %cond3A_16 = arith.constant 0 : i32
    %cond3A_17 = arith.cmpi ne, %convert_element_type3A_15, %cond3A_16 : i32
    scf.if %cond3A_17 {
      %jit3A = arith.constant 2 : i32
      %eq3A_26 = arith.constant 0 : i32
      %eq3A_27 = arith.cmpi eq, %jit3A, %eq3A_26 : i32
      %jit3A_28 = arith.constant 1 : i32
      %select_n3A = arith.select %eq3A_27, %jit3A_28, %jit3A : i32
      %rem3A = arith.remsi %arg0, %select_n3A : i32
      %ne3A = arith.constant 0 : i32
      %ne3A_29 = arith.cmpi ne, %rem3A, %ne3A : i32
      %lt3A_30 = arith.constant 0 : i32
      %lt3A_31 = arith.cmpi slt, %rem3A, %lt3A_30 : i32
      %lt3A_32 = arith.constant 0 : i32
      %lt3A_33 = arith.cmpi slt, %select_n3A, %lt3A_32 : i32
      %ne3A_34 = arith.xori %lt3A_31, %lt3A_33 : i1
      %and3A_35 = arith.andi %ne3A_34, %ne3A_29 : i1
      %add3A = arith.addi %rem3A, %select_n3A : i32
      %select_n3A_36 = arith.select %and3A_35, %add3A, %rem3A : i32
      %sub3A = arith.constant 1 : i32
      %sub3A_37 = arith.subi %sub3A, %select_n3A_36 : i32
      %get3A = arith.index_cast %sub3A_37 : i32 to index
      %get3A_38 = arith.constant 0 : index
      %get3A_39 = arith.constant 0 : index
      %get3A_40 = vector.load %arg29[%get3A, %get3A_38, %get3A_39] : memref<2x768x1024xf32, #tpu.memory_space<vmem>>, vector<1x768x1024xf32>
      %get3A_41 = vector.shape_cast %get3A_40 : vector<1x768x1024xf32> to vector<768x1024xf32>
      %convert_element_type3A_42 = arith.truncf %get3A_41 : vector<768x1024xf32> to vector<768x1024xbf16>
      %iota3A = tpu.iota {dimensions = array<i32: 1>} : vector<1x1024xi32>
      %jit3A_43 = arith.constant 32 : i32
      %div3A = vector.broadcast %jit3A_43 : i32 to vector<1x1024xi32>
      %div3A_44 = arith.divsi %iota3A, %div3A : vector<1x1024xi32>
      %sign3A = arith.constant 0 : i32
      %sign3A_45 = vector.broadcast %sign3A : i32 to vector<1x1024xi32>
      %sign3A_46 = arith.cmpi sgt, %iota3A, %sign3A_45 : vector<1x1024xi32>
      %sign3A_47 = arith.extui %sign3A_46 : vector<1x1024xi1> to vector<1x1024xi32>
      %sign3A_48 = arith.constant 0 : i32
      %sign3A_49 = vector.broadcast %sign3A_48 : i32 to vector<1x1024xi32>
      %sign3A_50 = arith.cmpi slt, %iota3A, %sign3A_49 : vector<1x1024xi32>
      %sign3A_51 = arith.extui %sign3A_50 : vector<1x1024xi1> to vector<1x1024xi32>
      %sign3A_52 = arith.subi %sign3A_47, %sign3A_51 : vector<1x1024xi32>
      %sign3A_53 = arith.constant 0 : i32
      %sign3A_54 = arith.cmpi sgt, %jit3A_43, %sign3A_53 : i32
      %sign3A_55 = arith.extui %sign3A_54 : i1 to i32
      %sign3A_56 = arith.constant 0 : i32
      %sign3A_57 = arith.cmpi slt, %jit3A_43, %sign3A_56 : i32
      %sign3A_58 = arith.extui %sign3A_57 : i1 to i32
      %sign3A_59 = arith.subi %sign3A_55, %sign3A_58 : i32
      %ne3A_60 = vector.broadcast %sign3A_59 : i32 to vector<1x1024xi32>
      %ne3A_61 = arith.cmpi ne, %sign3A_52, %ne3A_60 : vector<1x1024xi32>
      %rem3A_62 = vector.broadcast %jit3A_43 : i32 to vector<1x1024xi32>
      %rem3A_63 = arith.remsi %iota3A, %rem3A_62 : vector<1x1024xi32>
      %ne3A_64 = arith.constant 0 : i32
      %ne3A_65 = vector.broadcast %ne3A_64 : i32 to vector<1x1024xi32>
      %ne3A_66 = arith.cmpi ne, %rem3A_63, %ne3A_65 : vector<1x1024xi32>
      %and3A_67 = arith.andi %ne3A_61, %ne3A_66 : vector<1x1024xi1>
      %sub3A_68 = arith.constant 1 : i32
      %sub3A_69 = vector.broadcast %sub3A_68 : i32 to vector<1x1024xi32>
      %sub3A_70 = arith.subi %div3A_44, %sub3A_69 : vector<1x1024xi32>
      %select_n3A_71 = arith.select %and3A_67, %sub3A_70, %div3A_44 : vector<1x1024xi1>, vector<1x1024xi32>
      %jit3A_72 = arith.constant 32 : i32
      %eq3A_73 = arith.constant 0 : i32
      %eq3A_74 = arith.cmpi eq, %jit3A_72, %eq3A_73 : i32
      %jit3A_75 = arith.constant 1 : i32
      %select_n3A_76 = arith.select %eq3A_74, %jit3A_75, %jit3A_72 : i32
      %rem3A_77 = vector.broadcast %select_n3A_76 : i32 to vector<1x1024xi32>
      %rem3A_78 = arith.remsi %iota3A, %rem3A_77 : vector<1x1024xi32>
      %ne3A_79 = arith.constant 0 : i32
      %ne3A_80 = vector.broadcast %ne3A_79 : i32 to vector<1x1024xi32>
      %ne3A_81 = arith.cmpi ne, %rem3A_78, %ne3A_80 : vector<1x1024xi32>
      %lt3A_82 = arith.constant 0 : i32
      %lt3A_83 = vector.broadcast %lt3A_82 : i32 to vector<1x1024xi32>
      %lt3A_84 = arith.cmpi slt, %rem3A_78, %lt3A_83 : vector<1x1024xi32>
      %lt3A_85 = arith.constant 0 : i32
      %lt3A_86 = arith.cmpi slt, %select_n3A_76, %lt3A_85 : i32
      %ne3A_87 = vector.broadcast %lt3A_86 : i1 to vector<1x1024xi1>
      %ne3A_88 = vector.broadcast %ne3A_87 : vector<1x1024xi1> to vector<1x1024xi1>
      %ne3A_89 = arith.xori %lt3A_84, %ne3A_88 : vector<1x1024xi1>
      %and3A_90 = arith.andi %ne3A_89, %ne3A_81 : vector<1x1024xi1>
      %add3A_91 = vector.broadcast %select_n3A_76 : i32 to vector<1x1024xi32>
      %add3A_92 = arith.addi %rem3A_78, %add3A_91 : vector<1x1024xi32>
      %select_n3A_93 = arith.select %and3A_90, %add3A_92, %rem3A_78 : vector<1x1024xi1>, vector<1x1024xi32>
      %broadcast_in_dim3A = arith.constant 0.000000e+00 : f32
      %broadcast_in_dim3A_94 = vector.broadcast %broadcast_in_dim3A : f32 to vector<512x1024xf32>
      %slice3A = vector.extract_strided_slice %convert_element_type3A_42 {offsets = [0, 991], sizes = [768, 33], strides = [1, 1]} : vector<768x1024xbf16> to vector<768x33xbf16>
      %slice3A_95 = vector.extract_strided_slice %convert_element_type3A_42 {offsets = [0, 0], sizes = [768, 991], strides = [1, 1]} : vector<768x1024xbf16> to vector<768x991xbf16>
      %concatenate3A = tpu.concatenate %slice3A, %slice3A_95 in 1 : vector<768x33xbf16>, vector<768x991xbf16> -> vector<768x1024xbf16>
      %add3A_96 = arith.constant -1 : i32
      %add3A_97 = vector.broadcast %add3A_96 : i32 to vector<1x1024xi32>
      %add3A_98 = arith.addi %select_n3A_93, %add3A_97 : vector<1x1024xi32>
      %ge3A = arith.constant 0 : i32
      %ge3A_99 = vector.broadcast %ge3A : i32 to vector<1x1024xi32>
      %ge3A_100 = arith.cmpi sge, %add3A_98, %ge3A_99 : vector<1x1024xi32>
      %add3A_101 = arith.constant -1 : i32
      %add3A_102 = vector.broadcast %add3A_101 : i32 to vector<1x1024xi32>
      %add3A_103 = arith.addi %select_n3A_93, %add3A_102 : vector<1x1024xi32>
      %lt3A_104 = arith.constant 32 : i32
      %lt3A_105 = vector.broadcast %lt3A_104 : i32 to vector<1x1024xi32>
      %lt3A_106 = arith.cmpi slt, %add3A_103, %lt3A_105 : vector<1x1024xi32>
      %and3A_107 = arith.andi %ge3A_100, %lt3A_106 : vector<1x1024xi1>
      %add3A_108 = arith.constant -1 : i32
      %add3A_109 = vector.broadcast %add3A_108 : i32 to vector<1x1024xi32>
      %add3A_110 = arith.addi %select_n3A_71, %add3A_109 : vector<1x1024xi32>
      %ge3A_111 = arith.constant 0 : i32
      %ge3A_112 = vector.broadcast %ge3A_111 : i32 to vector<1x1024xi32>
      %ge3A_113 = arith.cmpi sge, %add3A_110, %ge3A_112 : vector<1x1024xi32>
      %and3A_114 = arith.andi %and3A_107, %ge3A_113 : vector<1x1024xi1>
      %add3A_115 = arith.constant -1 : i32
      %add3A_116 = vector.broadcast %add3A_115 : i32 to vector<1x1024xi32>
      %add3A_117 = arith.addi %select_n3A_71, %add3A_116 : vector<1x1024xi32>
      %lt3A_118 = arith.constant 32 : i32
      %lt3A_119 = vector.broadcast %lt3A_118 : i32 to vector<1x1024xi32>
      %lt3A_120 = arith.cmpi slt, %add3A_117, %lt3A_119 : vector<1x1024xi32>
      %and3A_121 = arith.andi %and3A_114, %lt3A_120 : vector<1x1024xi1>
      %jit3A_122 = arith.constant 0.000000e+00 : bf16
      %broadcast_in_dim3A_123 = vector.shape_cast %and3A_121 : vector<1x1024xi1> to vector<1x1024xi1>
      %broadcast_in_dim3A_124 = vector.broadcast %broadcast_in_dim3A_123 : vector<1x1024xi1> to vector<768x1024xi1>
      %broadcast_in_dim3A_125 = vector.broadcast %jit3A_122 : bf16 to vector<768x1024xbf16>
      %select_n3A_126 = arith.select %broadcast_in_dim3A_124, %concatenate3A, %broadcast_in_dim3A_125 : vector<768x1024xi1>, vector<768x1024xbf16>
      %slice3A_127 = vector.extract_strided_slice %convert_element_type3A_42 {offsets = [0, 992], sizes = [768, 32], strides = [1, 1]} : vector<768x1024xbf16> to vector<768x32xbf16>
      %slice3A_128 = vector.extract_strided_slice %convert_element_type3A_42 {offsets = [0, 0], sizes = [768, 992], strides = [1, 1]} : vector<768x1024xbf16> to vector<768x992xbf16>
      %concatenate3A_129 = tpu.concatenate %slice3A_127, %slice3A_128 in 1 : vector<768x32xbf16>, vector<768x992xbf16> -> vector<768x1024xbf16>
      %add3A_130 = arith.constant 0 : i32
      %add3A_131 = vector.broadcast %add3A_130 : i32 to vector<1x1024xi32>
      %add3A_132 = arith.addi %select_n3A_93, %add3A_131 : vector<1x1024xi32>
      %ge3A_133 = arith.constant 0 : i32
      %ge3A_134 = vector.broadcast %ge3A_133 : i32 to vector<1x1024xi32>
      %ge3A_135 = arith.cmpi sge, %add3A_132, %ge3A_134 : vector<1x1024xi32>
      %add3A_136 = arith.constant 0 : i32
      %add3A_137 = vector.broadcast %add3A_136 : i32 to vector<1x1024xi32>
      %add3A_138 = arith.addi %select_n3A_93, %add3A_137 : vector<1x1024xi32>
      %lt3A_139 = arith.constant 32 : i32
      %lt3A_140 = vector.broadcast %lt3A_139 : i32 to vector<1x1024xi32>
      %lt3A_141 = arith.cmpi slt, %add3A_138, %lt3A_140 : vector<1x1024xi32>
      %and3A_142 = arith.andi %ge3A_135, %lt3A_141 : vector<1x1024xi1>
      %add3A_143 = arith.constant -1 : i32
      %add3A_144 = vector.broadcast %add3A_143 : i32 to vector<1x1024xi32>
      %add3A_145 = arith.addi %select_n3A_71, %add3A_144 : vector<1x1024xi32>
      %ge3A_146 = arith.constant 0 : i32
      %ge3A_147 = vector.broadcast %ge3A_146 : i32 to vector<1x1024xi32>
      %ge3A_148 = arith.cmpi sge, %add3A_145, %ge3A_147 : vector<1x1024xi32>
      %and3A_149 = arith.andi %and3A_142, %ge3A_148 : vector<1x1024xi1>
      %add3A_150 = arith.constant -1 : i32
      %add3A_151 = vector.broadcast %add3A_150 : i32 to vector<1x1024xi32>
      %add3A_152 = arith.addi %select_n3A_71, %add3A_151 : vector<1x1024xi32>
      %lt3A_153 = arith.constant 32 : i32
      %lt3A_154 = vector.broadcast %lt3A_153 : i32 to vector<1x1024xi32>
      %lt3A_155 = arith.cmpi slt, %add3A_152, %lt3A_154 : vector<1x1024xi32>
      %and3A_156 = arith.andi %and3A_149, %lt3A_155 : vector<1x1024xi1>
      %jit3A_157 = arith.constant 0.000000e+00 : bf16
      %broadcast_in_dim3A_158 = vector.shape_cast %and3A_156 : vector<1x1024xi1> to vector<1x1024xi1>
      %broadcast_in_dim3A_159 = vector.broadcast %broadcast_in_dim3A_158 : vector<1x1024xi1> to vector<768x1024xi1>
      %broadcast_in_dim3A_160 = vector.broadcast %jit3A_157 : bf16 to vector<768x1024xbf16>
      %select_n3A_161 = arith.select %broadcast_in_dim3A_159, %concatenate3A_129, %broadcast_in_dim3A_160 : vector<768x1024xi1>, vector<768x1024xbf16>
      %slice3A_162 = vector.extract_strided_slice %convert_element_type3A_42 {offsets = [0, 993], sizes = [768, 31], strides = [1, 1]} : vector<768x1024xbf16> to vector<768x31xbf16>
      %slice3A_163 = vector.extract_strided_slice %convert_element_type3A_42 {offsets = [0, 0], sizes = [768, 993], strides = [1, 1]} : vector<768x1024xbf16> to vector<768x993xbf16>
      %concatenate3A_164 = tpu.concatenate %slice3A_162, %slice3A_163 in 1 : vector<768x31xbf16>, vector<768x993xbf16> -> vector<768x1024xbf16>
      %add3A_165 = arith.constant 1 : i32
      %add3A_166 = vector.broadcast %add3A_165 : i32 to vector<1x1024xi32>
      %add3A_167 = arith.addi %select_n3A_93, %add3A_166 : vector<1x1024xi32>
      %ge3A_168 = arith.constant 0 : i32
      %ge3A_169 = vector.broadcast %ge3A_168 : i32 to vector<1x1024xi32>
      %ge3A_170 = arith.cmpi sge, %add3A_167, %ge3A_169 : vector<1x1024xi32>
      %add3A_171 = arith.constant 1 : i32
      %add3A_172 = vector.broadcast %add3A_171 : i32 to vector<1x1024xi32>
      %add3A_173 = arith.addi %select_n3A_93, %add3A_172 : vector<1x1024xi32>
      %lt3A_174 = arith.constant 32 : i32
      %lt3A_175 = vector.broadcast %lt3A_174 : i32 to vector<1x1024xi32>
      %lt3A_176 = arith.cmpi slt, %add3A_173, %lt3A_175 : vector<1x1024xi32>
      %and3A_177 = arith.andi %ge3A_170, %lt3A_176 : vector<1x1024xi1>
      %add3A_178 = arith.constant -1 : i32
      %add3A_179 = vector.broadcast %add3A_178 : i32 to vector<1x1024xi32>
      %add3A_180 = arith.addi %select_n3A_71, %add3A_179 : vector<1x1024xi32>
      %ge3A_181 = arith.constant 0 : i32
      %ge3A_182 = vector.broadcast %ge3A_181 : i32 to vector<1x1024xi32>
      %ge3A_183 = arith.cmpi sge, %add3A_180, %ge3A_182 : vector<1x1024xi32>
      %and3A_184 = arith.andi %and3A_177, %ge3A_183 : vector<1x1024xi1>
      %add3A_185 = arith.constant -1 : i32
      %add3A_186 = vector.broadcast %add3A_185 : i32 to vector<1x1024xi32>
      %add3A_187 = arith.addi %select_n3A_71, %add3A_186 : vector<1x1024xi32>
      %lt3A_188 = arith.constant 32 : i32
      %lt3A_189 = vector.broadcast %lt3A_188 : i32 to vector<1x1024xi32>
      %lt3A_190 = arith.cmpi slt, %add3A_187, %lt3A_189 : vector<1x1024xi32>
      %and3A_191 = arith.andi %and3A_184, %lt3A_190 : vector<1x1024xi1>
      %jit3A_192 = arith.constant 0.000000e+00 : bf16
      %broadcast_in_dim3A_193 = vector.shape_cast %and3A_191 : vector<1x1024xi1> to vector<1x1024xi1>
      %broadcast_in_dim3A_194 = vector.broadcast %broadcast_in_dim3A_193 : vector<1x1024xi1> to vector<768x1024xi1>
      %broadcast_in_dim3A_195 = vector.broadcast %jit3A_192 : bf16 to vector<768x1024xbf16>
      %select_n3A_196 = arith.select %broadcast_in_dim3A_194, %concatenate3A_164, %broadcast_in_dim3A_195 : vector<768x1024xi1>, vector<768x1024xbf16>
      %concatenate3A_197 = tpu.concatenate %select_n3A_126, %select_n3A_161, %select_n3A_196 in 0 : vector<768x1024xbf16>, vector<768x1024xbf16>, vector<768x1024xbf16> -> vector<2304x1024xbf16>
      %get3A_198 = arith.constant 0 : index
      %get3A_199 = arith.constant 0 : index
      %get3A_200 = vector.load %arg9[%get3A_198, %get3A_199] : memref<512x6912xbf16, #tpu.memory_space<vmem>>, vector<512x2304xbf16>
      %dot_general3A = arith.constant dense<0.000000e+00> : vector<512x1024xf32>
      %dot_general3A_201 = tpu.matmul %get3A_200, %concatenate3A_197, %dot_general3A {dimension_numbers = #tpu.dot_dimension_numbers<[1], [0], [0], [1], [0, 0, 1, 1], [], []>, transpose_lhs_hint = false} : vector<512x2304xbf16>, vector<2304x1024xbf16>, vector<512x1024xf32> -> vector<512x1024xf32>
      %add3A_202 = arith.addf %broadcast_in_dim3A_94, %dot_general3A_201 : vector<512x1024xf32>
      %slice3A_203 = vector.extract_strided_slice %convert_element_type3A_42 {offsets = [0, 1023], sizes = [768, 1], strides = [1, 1]} : vector<768x1024xbf16> to vector<768x1xbf16>
      %slice3A_204 = vector.extract_strided_slice %convert_element_type3A_42 {offsets = [0, 0], sizes = [768, 1023], strides = [1, 1]} : vector<768x1024xbf16> to vector<768x1023xbf16>
      %concatenate3A_205 = tpu.concatenate %slice3A_203, %slice3A_204 in 1 : vector<768x1xbf16>, vector<768x1023xbf16> -> vector<768x1024xbf16>
      %add3A_206 = arith.constant -1 : i32
      %add3A_207 = vector.broadcast %add3A_206 : i32 to vector<1x1024xi32>
      %add3A_208 = arith.addi %select_n3A_93, %add3A_207 : vector<1x1024xi32>
      %ge3A_209 = arith.constant 0 : i32
      %ge3A_210 = vector.broadcast %ge3A_209 : i32 to vector<1x1024xi32>
      %ge3A_211 = arith.cmpi sge, %add3A_208, %ge3A_210 : vector<1x1024xi32>
      %add3A_212 = arith.constant -1 : i32
      %add3A_213 = vector.broadcast %add3A_212 : i32 to vector<1x1024xi32>
      %add3A_214 = arith.addi %select_n3A_93, %add3A_213 : vector<1x1024xi32>
      %lt3A_215 = arith.constant 32 : i32
      %lt3A_216 = vector.broadcast %lt3A_215 : i32 to vector<1x1024xi32>
      %lt3A_217 = arith.cmpi slt, %add3A_214, %lt3A_216 : vector<1x1024xi32>
      %and3A_218 = arith.andi %ge3A_211, %lt3A_217 : vector<1x1024xi1>
      %add3A_219 = arith.constant 0 : i32
      %add3A_220 = vector.broadcast %add3A_219 : i32 to vector<1x1024xi32>
      %add3A_221 = arith.addi %select_n3A_71, %add3A_220 : vector<1x1024xi32>
      %ge3A_222 = arith.constant 0 : i32
      %ge3A_223 = vector.broadcast %ge3A_222 : i32 to vector<1x1024xi32>
      %ge3A_224 = arith.cmpi sge, %add3A_221, %ge3A_223 : vector<1x1024xi32>
      %and3A_225 = arith.andi %and3A_218, %ge3A_224 : vector<1x1024xi1>
      %add3A_226 = arith.constant 0 : i32
      %add3A_227 = vector.broadcast %add3A_226 : i32 to vector<1x1024xi32>
      %add3A_228 = arith.addi %select_n3A_71, %add3A_227 : vector<1x1024xi32>
      %lt3A_229 = arith.constant 32 : i32
      %lt3A_230 = vector.broadcast %lt3A_229 : i32 to vector<1x1024xi32>
      %lt3A_231 = arith.cmpi slt, %add3A_228, %lt3A_230 : vector<1x1024xi32>
      %and3A_232 = arith.andi %and3A_225, %lt3A_231 : vector<1x1024xi1>
      %jit3A_233 = arith.constant 0.000000e+00 : bf16
      %broadcast_in_dim3A_234 = vector.shape_cast %and3A_232 : vector<1x1024xi1> to vector<1x1024xi1>
      %broadcast_in_dim3A_235 = vector.broadcast %broadcast_in_dim3A_234 : vector<1x1024xi1> to vector<768x1024xi1>
      %broadcast_in_dim3A_236 = vector.broadcast %jit3A_233 : bf16 to vector<768x1024xbf16>
      %select_n3A_237 = arith.select %broadcast_in_dim3A_235, %concatenate3A_205, %broadcast_in_dim3A_236 : vector<768x1024xi1>, vector<768x1024xbf16>
      %add3A_238 = arith.constant 0 : i32
      %add3A_239 = vector.broadcast %add3A_238 : i32 to vector<1x1024xi32>
      %add3A_240 = arith.addi %select_n3A_93, %add3A_239 : vector<1x1024xi32>
      %ge3A_241 = arith.constant 0 : i32
      %ge3A_242 = vector.broadcast %ge3A_241 : i32 to vector<1x1024xi32>
      %ge3A_243 = arith.cmpi sge, %add3A_240, %ge3A_242 : vector<1x1024xi32>
      %add3A_244 = arith.constant 0 : i32
      %add3A_245 = vector.broadcast %add3A_244 : i32 to vector<1x1024xi32>
      %add3A_246 = arith.addi %select_n3A_93, %add3A_245 : vector<1x1024xi32>
      %lt3A_247 = arith.constant 32 : i32
      %lt3A_248 = vector.broadcast %lt3A_247 : i32 to vector<1x1024xi32>
      %lt3A_249 = arith.cmpi slt, %add3A_246, %lt3A_248 : vector<1x1024xi32>
      %and3A_250 = arith.andi %ge3A_243, %lt3A_249 : vector<1x1024xi1>
      %add3A_251 = arith.constant 0 : i32
      %add3A_252 = vector.broadcast %add3A_251 : i32 to vector<1x1024xi32>
      %add3A_253 = arith.addi %select_n3A_71, %add3A_252 : vector<1x1024xi32>
      %ge3A_254 = arith.constant 0 : i32
      %ge3A_255 = vector.broadcast %ge3A_254 : i32 to vector<1x1024xi32>
      %ge3A_256 = arith.cmpi sge, %add3A_253, %ge3A_255 : vector<1x1024xi32>
      %and3A_257 = arith.andi %and3A_250, %ge3A_256 : vector<1x1024xi1>
      %add3A_258 = arith.constant 0 : i32
      %add3A_259 = vector.broadcast %add3A_258 : i32 to vector<1x1024xi32>
      %add3A_260 = arith.addi %select_n3A_71, %add3A_259 : vector<1x1024xi32>
      %lt3A_261 = arith.constant 32 : i32
      %lt3A_262 = vector.broadcast %lt3A_261 : i32 to vector<1x1024xi32>
      %lt3A_263 = arith.cmpi slt, %add3A_260, %lt3A_262 : vector<1x1024xi32>
      %and3A_264 = arith.andi %and3A_257, %lt3A_263 : vector<1x1024xi1>
      %jit3A_265 = arith.constant 0.000000e+00 : bf16
      %broadcast_in_dim3A_266 = vector.shape_cast %and3A_264 : vector<1x1024xi1> to vector<1x1024xi1>
      %broadcast_in_dim3A_267 = vector.broadcast %broadcast_in_dim3A_266 : vector<1x1024xi1> to vector<768x1024xi1>
      %broadcast_in_dim3A_268 = vector.broadcast %jit3A_265 : bf16 to vector<768x1024xbf16>
      %select_n3A_269 = arith.select %broadcast_in_dim3A_267, %convert_element_type3A_42, %broadcast_in_dim3A_268 : vector<768x1024xi1>, vector<768x1024xbf16>
      %slice3A_270 = vector.extract_strided_slice %convert_element_type3A_42 {offsets = [0, 1], sizes = [768, 1023], strides = [1, 1]} : vector<768x1024xbf16> to vector<768x1023xbf16>
      %slice3A_271 = vector.extract_strided_slice %convert_element_type3A_42 {offsets = [0, 0], sizes = [768, 1], strides = [1, 1]} : vector<768x1024xbf16> to vector<768x1xbf16>
      %concatenate3A_272 = tpu.concatenate %slice3A_270, %slice3A_271 in 1 : vector<768x1023xbf16>, vector<768x1xbf16> -> vector<768x1024xbf16>
      %add3A_273 = arith.constant 1 : i32
      %add3A_274 = vector.broadcast %add3A_273 : i32 to vector<1x1024xi32>
      %add3A_275 = arith.addi %select_n3A_93, %add3A_274 : vector<1x1024xi32>
      %ge3A_276 = arith.constant 0 : i32
      %ge3A_277 = vector.broadcast %ge3A_276 : i32 to vector<1x1024xi32>
      %ge3A_278 = arith.cmpi sge, %add3A_275, %ge3A_277 : vector<1x1024xi32>
      %add3A_279 = arith.constant 1 : i32
      %add3A_280 = vector.broadcast %add3A_279 : i32 to vector<1x1024xi32>
      %add3A_281 = arith.addi %select_n3A_93, %add3A_280 : vector<1x1024xi32>
      %lt3A_282 = arith.constant 32 : i32
      %lt3A_283 = vector.broadcast %lt3A_282 : i32 to vector<1x1024xi32>
      %lt3A_284 = arith.cmpi slt, %add3A_281, %lt3A_283 : vector<1x1024xi32>
      %and3A_285 = arith.andi %ge3A_278, %lt3A_284 : vector<1x1024xi1>
      %add3A_286 = arith.constant 0 : i32
      %add3A_287 = vector.broadcast %add3A_286 : i32 to vector<1x1024xi32>
      %add3A_288 = arith.addi %select_n3A_71, %add3A_287 : vector<1x1024xi32>
      %ge3A_289 = arith.constant 0 : i32
      %ge3A_290 = vector.broadcast %ge3A_289 : i32 to vector<1x1024xi32>
      %ge3A_291 = arith.cmpi sge, %add3A_288, %ge3A_290 : vector<1x1024xi32>
      %and3A_292 = arith.andi %and3A_285, %ge3A_291 : vector<1x1024xi1>
      %add3A_293 = arith.constant 0 : i32
      %add3A_294 = vector.broadcast %add3A_293 : i32 to vector<1x1024xi32>
      %add3A_295 = arith.addi %select_n3A_71, %add3A_294 : vector<1x1024xi32>
      %lt3A_296 = arith.constant 32 : i32
      %lt3A_297 = vector.broadcast %lt3A_296 : i32 to vector<1x1024xi32>
      %lt3A_298 = arith.cmpi slt, %add3A_295, %lt3A_297 : vector<1x1024xi32>
      %and3A_299 = arith.andi %and3A_292, %lt3A_298 : vector<1x1024xi1>
      %jit3A_300 = arith.constant 0.000000e+00 : bf16
      %broadcast_in_dim3A_301 = vector.shape_cast %and3A_299 : vector<1x1024xi1> to vector<1x1024xi1>
      %broadcast_in_dim3A_302 = vector.broadcast %broadcast_in_dim3A_301 : vector<1x1024xi1> to vector<768x1024xi1>
      %broadcast_in_dim3A_303 = vector.broadcast %jit3A_300 : bf16 to vector<768x1024xbf16>
      %select_n3A_304 = arith.select %broadcast_in_dim3A_302, %concatenate3A_272, %broadcast_in_dim3A_303 : vector<768x1024xi1>, vector<768x1024xbf16>
      %concatenate3A_305 = tpu.concatenate %select_n3A_237, %select_n3A_269, %select_n3A_304 in 0 : vector<768x1024xbf16>, vector<768x1024xbf16>, vector<768x1024xbf16> -> vector<2304x1024xbf16>
      %get3A_306 = arith.constant 0 : index
      %get3A_307 = arith.constant 2304 : index
      %get3A_308 = vector.load %arg9[%get3A_306, %get3A_307] : memref<512x6912xbf16, #tpu.memory_space<vmem>>, vector<512x2304xbf16>
      %dot_general3A_309 = arith.constant dense<0.000000e+00> : vector<512x1024xf32>
      %dot_general3A_310 = tpu.matmul %get3A_308, %concatenate3A_305, %dot_general3A_309 {dimension_numbers = #tpu.dot_dimension_numbers<[1], [0], [0], [1], [0, 0, 1, 1], [], []>, transpose_lhs_hint = false} : vector<512x2304xbf16>, vector<2304x1024xbf16>, vector<512x1024xf32> -> vector<512x1024xf32>
      %add3A_311 = arith.addf %add3A_202, %dot_general3A_310 : vector<512x1024xf32>
      %slice3A_312 = vector.extract_strided_slice %convert_element_type3A_42 {offsets = [0, 31], sizes = [768, 993], strides = [1, 1]} : vector<768x1024xbf16> to vector<768x993xbf16>
      %slice3A_313 = vector.extract_strided_slice %convert_element_type3A_42 {offsets = [0, 0], sizes = [768, 31], strides = [1, 1]} : vector<768x1024xbf16> to vector<768x31xbf16>
      %concatenate3A_314 = tpu.concatenate %slice3A_312, %slice3A_313 in 1 : vector<768x993xbf16>, vector<768x31xbf16> -> vector<768x1024xbf16>
      %add3A_315 = arith.constant -1 : i32
      %add3A_316 = vector.broadcast %add3A_315 : i32 to vector<1x1024xi32>
      %add3A_317 = arith.addi %select_n3A_93, %add3A_316 : vector<1x1024xi32>
      %ge3A_318 = arith.constant 0 : i32
      %ge3A_319 = vector.broadcast %ge3A_318 : i32 to vector<1x1024xi32>
      %ge3A_320 = arith.cmpi sge, %add3A_317, %ge3A_319 : vector<1x1024xi32>
      %add3A_321 = arith.constant -1 : i32
      %add3A_322 = vector.broadcast %add3A_321 : i32 to vector<1x1024xi32>
      %add3A_323 = arith.addi %select_n3A_93, %add3A_322 : vector<1x1024xi32>
      %lt3A_324 = arith.constant 32 : i32
      %lt3A_325 = vector.broadcast %lt3A_324 : i32 to vector<1x1024xi32>
      %lt3A_326 = arith.cmpi slt, %add3A_323, %lt3A_325 : vector<1x1024xi32>
      %and3A_327 = arith.andi %ge3A_320, %lt3A_326 : vector<1x1024xi1>
      %add3A_328 = arith.constant 1 : i32
      %add3A_329 = vector.broadcast %add3A_328 : i32 to vector<1x1024xi32>
      %add3A_330 = arith.addi %select_n3A_71, %add3A_329 : vector<1x1024xi32>
      %ge3A_331 = arith.constant 0 : i32
      %ge3A_332 = vector.broadcast %ge3A_331 : i32 to vector<1x1024xi32>
      %ge3A_333 = arith.cmpi sge, %add3A_330, %ge3A_332 : vector<1x1024xi32>
      %and3A_334 = arith.andi %and3A_327, %ge3A_333 : vector<1x1024xi1>
      %add3A_335 = arith.constant 1 : i32
      %add3A_336 = vector.broadcast %add3A_335 : i32 to vector<1x1024xi32>
      %add3A_337 = arith.addi %select_n3A_71, %add3A_336 : vector<1x1024xi32>
      %lt3A_338 = arith.constant 32 : i32
      %lt3A_339 = vector.broadcast %lt3A_338 : i32 to vector<1x1024xi32>
      %lt3A_340 = arith.cmpi slt, %add3A_337, %lt3A_339 : vector<1x1024xi32>
      %and3A_341 = arith.andi %and3A_334, %lt3A_340 : vector<1x1024xi1>
      %jit3A_342 = arith.constant 0.000000e+00 : bf16
      %broadcast_in_dim3A_343 = vector.shape_cast %and3A_341 : vector<1x1024xi1> to vector<1x1024xi1>
      %broadcast_in_dim3A_344 = vector.broadcast %broadcast_in_dim3A_343 : vector<1x1024xi1> to vector<768x1024xi1>
      %broadcast_in_dim3A_345 = vector.broadcast %jit3A_342 : bf16 to vector<768x1024xbf16>
      %select_n3A_346 = arith.select %broadcast_in_dim3A_344, %concatenate3A_314, %broadcast_in_dim3A_345 : vector<768x1024xi1>, vector<768x1024xbf16>
      %slice3A_347 = vector.extract_strided_slice %convert_element_type3A_42 {offsets = [0, 32], sizes = [768, 992], strides = [1, 1]} : vector<768x1024xbf16> to vector<768x992xbf16>
      %slice3A_348 = vector.extract_strided_slice %convert_element_type3A_42 {offsets = [0, 0], sizes = [768, 32], strides = [1, 1]} : vector<768x1024xbf16> to vector<768x32xbf16>
      %concatenate3A_349 = tpu.concatenate %slice3A_347, %slice3A_348 in 1 : vector<768x992xbf16>, vector<768x32xbf16> -> vector<768x1024xbf16>
      %add3A_350 = arith.constant 0 : i32
      %add3A_351 = vector.broadcast %add3A_350 : i32 to vector<1x1024xi32>
      %add3A_352 = arith.addi %select_n3A_93, %add3A_351 : vector<1x1024xi32>
      %ge3A_353 = arith.constant 0 : i32
      %ge3A_354 = vector.broadcast %ge3A_353 : i32 to vector<1x1024xi32>
      %ge3A_355 = arith.cmpi sge, %add3A_352, %ge3A_354 : vector<1x1024xi32>
      %add3A_356 = arith.constant 0 : i32
      %add3A_357 = vector.broadcast %add3A_356 : i32 to vector<1x1024xi32>
      %add3A_358 = arith.addi %select_n3A_93, %add3A_357 : vector<1x1024xi32>
      %lt3A_359 = arith.constant 32 : i32
      %lt3A_360 = vector.broadcast %lt3A_359 : i32 to vector<1x1024xi32>
      %lt3A_361 = arith.cmpi slt, %add3A_358, %lt3A_360 : vector<1x1024xi32>
      %and3A_362 = arith.andi %ge3A_355, %lt3A_361 : vector<1x1024xi1>
      %add3A_363 = arith.constant 1 : i32
      %add3A_364 = vector.broadcast %add3A_363 : i32 to vector<1x1024xi32>
      %add3A_365 = arith.addi %select_n3A_71, %add3A_364 : vector<1x1024xi32>
      %ge3A_366 = arith.constant 0 : i32
      %ge3A_367 = vector.broadcast %ge3A_366 : i32 to vector<1x1024xi32>
      %ge3A_368 = arith.cmpi sge, %add3A_365, %ge3A_367 : vector<1x1024xi32>
      %and3A_369 = arith.andi %and3A_362, %ge3A_368 : vector<1x1024xi1>
      %add3A_370 = arith.constant 1 : i32
      %add3A_371 = vector.broadcast %add3A_370 : i32 to vector<1x1024xi32>
      %add3A_372 = arith.addi %select_n3A_71, %add3A_371 : vector<1x1024xi32>
      %lt3A_373 = arith.constant 32 : i32
      %lt3A_374 = vector.broadcast %lt3A_373 : i32 to vector<1x1024xi32>
      %lt3A_375 = arith.cmpi slt, %add3A_372, %lt3A_374 : vector<1x1024xi32>
      %and3A_376 = arith.andi %and3A_369, %lt3A_375 : vector<1x1024xi1>
      %jit3A_377 = arith.constant 0.000000e+00 : bf16
      %broadcast_in_dim3A_378 = vector.shape_cast %and3A_376 : vector<1x1024xi1> to vector<1x1024xi1>
      %broadcast_in_dim3A_379 = vector.broadcast %broadcast_in_dim3A_378 : vector<1x1024xi1> to vector<768x1024xi1>
      %broadcast_in_dim3A_380 = vector.broadcast %jit3A_377 : bf16 to vector<768x1024xbf16>
      %select_n3A_381 = arith.select %broadcast_in_dim3A_379, %concatenate3A_349, %broadcast_in_dim3A_380 : vector<768x1024xi1>, vector<768x1024xbf16>
      %slice3A_382 = vector.extract_strided_slice %convert_element_type3A_42 {offsets = [0, 33], sizes = [768, 991], strides = [1, 1]} : vector<768x1024xbf16> to vector<768x991xbf16>
      %slice3A_383 = vector.extract_strided_slice %convert_element_type3A_42 {offsets = [0, 0], sizes = [768, 33], strides = [1, 1]} : vector<768x1024xbf16> to vector<768x33xbf16>
      %concatenate3A_384 = tpu.concatenate %slice3A_382, %slice3A_383 in 1 : vector<768x991xbf16>, vector<768x33xbf16> -> vector<768x1024xbf16>
      %add3A_385 = arith.constant 1 : i32
      %add3A_386 = vector.broadcast %add3A_385 : i32 to vector<1x1024xi32>
      %add3A_387 = arith.addi %select_n3A_93, %add3A_386 : vector<1x1024xi32>
      %ge3A_388 = arith.constant 0 : i32
      %ge3A_389 = vector.broadcast %ge3A_388 : i32 to vector<1x1024xi32>
      %ge3A_390 = arith.cmpi sge, %add3A_387, %ge3A_389 : vector<1x1024xi32>
      %add3A_391 = arith.constant 1 : i32
      %add3A_392 = vector.broadcast %add3A_391 : i32 to vector<1x1024xi32>
      %add3A_393 = arith.addi %select_n3A_93, %add3A_392 : vector<1x1024xi32>
      %lt3A_394 = arith.constant 32 : i32
      %lt3A_395 = vector.broadcast %lt3A_394 : i32 to vector<1x1024xi32>
      %lt3A_396 = arith.cmpi slt, %add3A_393, %lt3A_395 : vector<1x1024xi32>
      %and3A_397 = arith.andi %ge3A_390, %lt3A_396 : vector<1x1024xi1>
      %add3A_398 = arith.constant 1 : i32
      %add3A_399 = vector.broadcast %add3A_398 : i32 to vector<1x1024xi32>
      %add3A_400 = arith.addi %select_n3A_71, %add3A_399 : vector<1x1024xi32>
      %ge3A_401 = arith.constant 0 : i32
      %ge3A_402 = vector.broadcast %ge3A_401 : i32 to vector<1x1024xi32>
      %ge3A_403 = arith.cmpi sge, %add3A_400, %ge3A_402 : vector<1x1024xi32>
      %and3A_404 = arith.andi %and3A_397, %ge3A_403 : vector<1x1024xi1>
      %add3A_405 = arith.constant 1 : i32
      %add3A_406 = vector.broadcast %add3A_405 : i32 to vector<1x1024xi32>
      %add3A_407 = arith.addi %select_n3A_71, %add3A_406 : vector<1x1024xi32>
      %lt3A_408 = arith.constant 32 : i32
      %lt3A_409 = vector.broadcast %lt3A_408 : i32 to vector<1x1024xi32>
      %lt3A_410 = arith.cmpi slt, %add3A_407, %lt3A_409 : vector<1x1024xi32>
      %and3A_411 = arith.andi %and3A_404, %lt3A_410 : vector<1x1024xi1>
      %jit3A_412 = arith.constant 0.000000e+00 : bf16
      %broadcast_in_dim3A_413 = vector.shape_cast %and3A_411 : vector<1x1024xi1> to vector<1x1024xi1>
      %broadcast_in_dim3A_414 = vector.broadcast %broadcast_in_dim3A_413 : vector<1x1024xi1> to vector<768x1024xi1>
      %broadcast_in_dim3A_415 = vector.broadcast %jit3A_412 : bf16 to vector<768x1024xbf16>
      %select_n3A_416 = arith.select %broadcast_in_dim3A_414, %concatenate3A_384, %broadcast_in_dim3A_415 : vector<768x1024xi1>, vector<768x1024xbf16>
      %concatenate3A_417 = tpu.concatenate %select_n3A_346, %select_n3A_381, %select_n3A_416 in 0 : vector<768x1024xbf16>, vector<768x1024xbf16>, vector<768x1024xbf16> -> vector<2304x1024xbf16>
      %get3A_418 = arith.constant 0 : index
      %get3A_419 = arith.constant 4608 : index
      %get3A_420 = vector.load %arg9[%get3A_418, %get3A_419] : memref<512x6912xbf16, #tpu.memory_space<vmem>>, vector<512x2304xbf16>
      %dot_general3A_421 = arith.constant dense<0.000000e+00> : vector<512x1024xf32>
      %dot_general3A_422 = tpu.matmul %get3A_420, %concatenate3A_417, %dot_general3A_421 {dimension_numbers = #tpu.dot_dimension_numbers<[1], [0], [0], [1], [0, 0, 1, 1], [], []>, transpose_lhs_hint = false} : vector<512x2304xbf16>, vector<2304x1024xbf16>, vector<512x1024xf32> -> vector<512x1024xf32>
      %add3A_423 = arith.addf %add3A_311, %dot_general3A_422 : vector<512x1024xf32>
      %get3A_424 = arith.constant 0 : index
      %get3A_425 = arith.constant 0 : index
      %get3A_426 = vector.load %arg10[%get3A_424, %get3A_425] : memref<512x1xf32, #tpu.memory_space<vmem>>, vector<512x1xf32>
      %add3A_427 = vector.broadcast %get3A_426 : vector<512x1xf32> to vector<512x1024xf32>
      %add3A_428 = arith.addf %add3A_423, %add3A_427 : vector<512x1024xf32>
      %max3A = arith.constant 0.000000e+00 : f32
      %max3A_429 = vector.broadcast %max3A : f32 to vector<512x1024xf32>
      %max3A_430 = arith.maximumf %add3A_428, %max3A_429 : vector<512x1024xf32>
      %reduce_sum3A = arith.constant dense<0.000000e+00> : vector<1024xf32>
      %reduce_sum3A_431 = vector.multi_reduction <add>, %max3A_430, %reduce_sum3A [0] : vector<512x1024xf32> to vector<1024xf32>
      %broadcast_in_dim3A_432 = vector.shape_cast %reduce_sum3A_431 : vector<1024xf32> to vector<1x1024xf32>
      %div3A_433 = arith.constant 5.120000e+02 : f32
      %div3A_434 = vector.broadcast %div3A_433 : f32 to vector<1x1024xf32>
      %div3A_435 = arith.divf %broadcast_in_dim3A_432, %div3A_434 : vector<1x1024xf32>
      %sub3A_436 = vector.broadcast %div3A_435 : vector<1x1024xf32> to vector<512x1024xf32>
      %sub3A_437 = arith.subf %max3A_430, %sub3A_436 : vector<512x1024xf32>
      %integer_pow3A = arith.mulf %sub3A_437, %sub3A_437 : vector<512x1024xf32>
      %reduce_sum3A_438 = arith.constant dense<0.000000e+00> : vector<1024xf32>
      %reduce_sum3A_439 = vector.multi_reduction <add>, %integer_pow3A, %reduce_sum3A_438 [0] : vector<512x1024xf32> to vector<1024xf32>
      %broadcast_in_dim3A_440 = vector.shape_cast %reduce_sum3A_439 : vector<1024xf32> to vector<1x1024xf32>
      %div3A_441 = arith.constant 5.120000e+02 : f32
      %div3A_442 = vector.broadcast %div3A_441 : f32 to vector<1x1024xf32>
      %div3A_443 = arith.divf %broadcast_in_dim3A_440, %div3A_442 : vector<1x1024xf32>
      %sub3A_444 = vector.broadcast %div3A_435 : vector<1x1024xf32> to vector<512x1024xf32>
      %sub3A_445 = arith.subf %max3A_430, %sub3A_444 : vector<512x1024xf32>
      %add3A_446 = arith.constant 9.99999974E-6 : f32
      %add3A_447 = vector.broadcast %add3A_446 : f32 to vector<1x1024xf32>
      %add3A_448 = arith.addf %div3A_443, %add3A_447 : vector<1x1024xf32>
      %sqrt3A = math.sqrt %add3A_448 : vector<1x1024xf32>
      %div3A_449 = vector.broadcast %sqrt3A : vector<1x1024xf32> to vector<512x1024xf32>
      %div3A_450 = arith.divf %sub3A_445, %div3A_449 : vector<512x1024xf32>
      %get3A_451 = arith.constant 0 : index
      %get3A_452 = arith.constant 0 : index
      %get3A_453 = vector.load %arg12[%get3A_451, %get3A_452] : memref<512x1xf32, #tpu.memory_space<vmem>>, vector<512x1xf32>
      %mul3A = vector.broadcast %get3A_453 : vector<512x1xf32> to vector<512x1024xf32>
      %mul3A_454 = arith.mulf %div3A_450, %mul3A : vector<512x1024xf32>
      %get3A_455 = arith.constant 0 : index
      %get3A_456 = arith.constant 0 : index
      %get3A_457 = vector.load %arg13[%get3A_455, %get3A_456] : memref<512x1xf32, #tpu.memory_space<vmem>>, vector<512x1xf32>
      %add3A_458 = vector.broadcast %get3A_457 : vector<512x1xf32> to vector<512x1024xf32>
      %add3A_459 = arith.addf %mul3A_454, %add3A_458 : vector<512x1024xf32>
      %get3A_460 = arith.constant 0 : index
      %get3A_461 = arith.constant 0 : index
      %get3A_462 = arith.constant 0 : index
      %get3A_463 = vector.load %arg6[%get3A_460, %get3A_461, %get3A_462] : memref<1x77x768xf32, #tpu.memory_space<vmem>>, vector<1x77x768xf32>
      %get3A_464 = vector.shape_cast %get3A_463 : vector<1x77x768xf32> to vector<77x768xf32>
      %get3A_465 = arith.constant 0 : index
      %get3A_466 = arith.constant 0 : index
      %get3A_467 = vector.load %arg11[%get3A_465, %get3A_466] : memref<768x512xf32, #tpu.memory_space<vmem>>, vector<768x512xf32>
      %dot_general3A_468 = arith.constant dense<0.000000e+00> : vector<77x512xf32>
      %dot_general3A_469 = tpu.matmul %get3A_464, %get3A_467, %dot_general3A_468 {dimension_numbers = #tpu.dot_dimension_numbers<[1], [0], [0], [1], [0, 0, 1, 1], [], []>, transpose_lhs_hint = false} : vector<77x768xf32>, vector<768x512xf32>, vector<77x512xf32> -> vector<77x512xf32>
      %reduce_sum3A_470 = arith.constant dense<0.000000e+00> : vector<77xf32>
      %reduce_sum3A_471 = vector.multi_reduction <add>, %dot_general3A_469, %reduce_sum3A_470 [1] : vector<77x512xf32> to vector<77xf32>
      %broadcast_in_dim3A_472 = vector.shape_cast %reduce_sum3A_471 : vector<77xf32> to vector<77x1xf32>
      %div3A_473 = arith.constant 5.120000e+02 : f32
      %div3A_474 = vector.broadcast %div3A_473 : f32 to vector<77x1xf32>
      %div3A_475 = arith.divf %broadcast_in_dim3A_472, %div3A_474 : vector<77x1xf32>
      %sub3A_476 = vector.broadcast %div3A_475 : vector<77x1xf32> to vector<77x512xf32>
      %sub3A_477 = arith.subf %dot_general3A_469, %sub3A_476 : vector<77x512xf32>
      %integer_pow3A_478 = arith.mulf %sub3A_477, %sub3A_477 : vector<77x512xf32>
      %reduce_sum3A_479 = arith.constant dense<0.000000e+00> : vector<77xf32>
      %reduce_sum3A_480 = vector.multi_reduction <add>, %integer_pow3A_478, %reduce_sum3A_479 [1] : vector<77x512xf32> to vector<77xf32>
      %broadcast_in_dim3A_481 = vector.shape_cast %reduce_sum3A_480 : vector<77xf32> to vector<77x1xf32>
      %div3A_482 = arith.constant 5.120000e+02 : f32
      %div3A_483 = vector.broadcast %div3A_482 : f32 to vector<77x1xf32>
      %div3A_484 = arith.divf %broadcast_in_dim3A_481, %div3A_483 : vector<77x1xf32>
      %sub3A_485 = vector.broadcast %div3A_475 : vector<77x1xf32> to vector<77x512xf32>
      %sub3A_486 = arith.subf %dot_general3A_469, %sub3A_485 : vector<77x512xf32>
      %add3A_487 = arith.constant 9.99999974E-6 : f32
      %add3A_488 = vector.broadcast %add3A_487 : f32 to vector<77x1xf32>
      %add3A_489 = arith.addf %div3A_484, %add3A_488 : vector<77x1xf32>
      %sqrt3A_490 = math.sqrt %add3A_489 : vector<77x1xf32>
      %div3A_491 = vector.broadcast %sqrt3A_490 : vector<77x1xf32> to vector<77x512xf32>
      %div3A_492 = arith.divf %sub3A_486, %div3A_491 : vector<77x512xf32>
      %get3A_493 = arith.constant 0 : index
      %get3A_494 = arith.constant 0 : index
      %get3A_495 = vector.load %arg14[%get3A_493, %get3A_494] : memref<1x512xf32, #tpu.memory_space<vmem>>, vector<1x512xf32>
      %mul3A_496 = vector.broadcast %get3A_495 : vector<1x512xf32> to vector<77x512xf32>
      %mul3A_497 = arith.mulf %div3A_492, %mul3A_496 : vector<77x512xf32>
      %get3A_498 = arith.constant 0 : index
      %get3A_499 = arith.constant 0 : index
      %get3A_500 = vector.load %arg15[%get3A_498, %get3A_499] : memref<1x512xf32, #tpu.memory_space<vmem>>, vector<1x512xf32>
      %add3A_501 = vector.broadcast %get3A_500 : vector<1x512xf32> to vector<77x512xf32>
      %add3A_502 = arith.addf %mul3A_497, %add3A_501 : vector<77x512xf32>
      %get3A_503 = arith.constant 0 : index
      %get3A_504 = arith.constant 0 : index
      %get3A_505 = vector.load %arg17[%get3A_503, %get3A_504] : memref<512x512xf32, #tpu.memory_space<vmem>>, vector<512x512xf32>
      %dot_general3A_506 = arith.constant dense<0.000000e+00> : vector<77x512xf32>
      %dot_general3A_507 = tpu.matmul %add3A_502, %get3A_505, %dot_general3A_506 {dimension_numbers = #tpu.dot_dimension_numbers<[1], [0], [0], [1], [0, 0, 1, 1], [], []>, transpose_lhs_hint = false} : vector<77x512xf32>, vector<512x512xf32>, vector<77x512xf32> -> vector<77x512xf32>
      %get3A_508 = arith.constant 0 : index
      %get3A_509 = arith.constant 0 : index
      %get3A_510 = vector.load %arg18[%get3A_508, %get3A_509] : memref<512x512xf32, #tpu.memory_space<vmem>>, vector<512x512xf32>
      %dot_general3A_511 = arith.constant dense<0.000000e+00> : vector<77x512xf32>
      %dot_general3A_512 = tpu.matmul %add3A_502, %get3A_510, %dot_general3A_511 {dimension_numbers = #tpu.dot_dimension_numbers<[1], [0], [0], [1], [0, 0, 1, 1], [], []>, transpose_lhs_hint = false} : vector<77x512xf32>, vector<512x512xf32>, vector<77x512xf32> -> vector<77x512xf32>
      %get3A_513 = arith.constant 0 : index
      %get3A_514 = arith.constant 0 : index
      %get3A_515 = vector.load %arg16[%get3A_513, %get3A_514] : memref<512x512xf32, #tpu.memory_space<vmem>>, vector<512x512xf32>
      %dot_general3A_516 = arith.constant dense<0.000000e+00> : vector<512x1024xf32>
      %dot_general3A_517 = tpu.matmul %get3A_515, %add3A_459, %dot_general3A_516 {dimension_numbers = #tpu.dot_dimension_numbers<[1], [0], [0], [1], [0, 0, 1, 1], [], []>, transpose_lhs_hint = false} : vector<512x512xf32>, vector<512x1024xf32>, vector<512x1024xf32> -> vector<512x1024xf32>
      %slice3A_518 = vector.extract_strided_slice %dot_general3A_507 {offsets = [0, 0], sizes = [77, 64], strides = [1, 1]} : vector<77x512xf32> to vector<77x64xf32>
      %slice3A_519 = vector.extract_strided_slice %dot_general3A_517 {offsets = [0, 0], sizes = [64, 1024], strides = [1, 1]} : vector<512x1024xf32> to vector<64x1024xf32>
      %dot_general3A_520 = arith.constant dense<0.000000e+00> : vector<77x1024xf32>
      %dot_general3A_521 = tpu.matmul %slice3A_518, %slice3A_519, %dot_general3A_520 {dimension_numbers = #tpu.dot_dimension_numbers<[1], [0], [0], [1], [0, 0, 1, 1], [], []>, transpose_lhs_hint = false} : vector<77x64xf32>, vector<64x1024xf32>, vector<77x1024xf32> -> vector<77x1024xf32>
      %mul3A_522 = arith.constant 1.250000e-01 : f32
      %mul3A_523 = vector.broadcast %mul3A_522 : f32 to vector<77x1024xf32>
      %mul3A_524 = arith.mulf %dot_general3A_521, %mul3A_523 : vector<77x1024xf32>
      %reduce_max3A = arith.constant dense<0xFF800000> : vector<1024xf32>
      %reduce_max3A_525 = vector.multi_reduction <maximumf>, %mul3A_524, %reduce_max3A [0] : vector<77x1024xf32> to vector<1024xf32>
      %broadcast_in_dim3A_526 = vector.shape_cast %reduce_max3A_525 : vector<1024xf32> to vector<1x1024xf32>
      %sub3A_527 = vector.broadcast %broadcast_in_dim3A_526 : vector<1x1024xf32> to vector<77x1024xf32>
      %sub3A_528 = arith.subf %mul3A_524, %sub3A_527 : vector<77x1024xf32>
      %exp3A = math.exp %sub3A_528 : vector<77x1024xf32>
      %reduce_sum3A_529 = arith.constant dense<0.000000e+00> : vector<1024xf32>
      %reduce_sum3A_530 = vector.multi_reduction <add>, %exp3A, %reduce_sum3A_529 [0] : vector<77x1024xf32> to vector<1024xf32>
      %broadcast_in_dim3A_531 = vector.shape_cast %reduce_sum3A_530 : vector<1024xf32> to vector<1x1024xf32>
      %div3A_532 = vector.broadcast %broadcast_in_dim3A_531 : vector<1x1024xf32> to vector<77x1024xf32>
      %div3A_533 = arith.divf %exp3A, %div3A_532 : vector<77x1024xf32>
      %slice3A_534 = vector.extract_strided_slice %dot_general3A_512 {offsets = [0, 0], sizes = [77, 64], strides = [1, 1]} : vector<77x512xf32> to vector<77x64xf32>
      %dot_general3A_535 = arith.constant dense<0.000000e+00> : vector<64x1024xf32>
      %dot_general3A_536 = tpu.matmul %slice3A_534, %div3A_533, %dot_general3A_535 {dimension_numbers = #tpu.dot_dimension_numbers<[0], [0], [1], [1], [0, 1, 1, 1], [], []>, transpose_lhs_hint = false} : vector<77x64xf32>, vector<77x1024xf32>, vector<64x1024xf32> -> vector<64x1024xf32>
      %slice3A_537 = vector.extract_strided_slice %dot_general3A_507 {offsets = [0, 64], sizes = [77, 64], strides = [1, 1]} : vector<77x512xf32> to vector<77x64xf32>
      %slice3A_538 = vector.extract_strided_slice %dot_general3A_517 {offsets = [64, 0], sizes = [64, 1024], strides = [1, 1]} : vector<512x1024xf32> to vector<64x1024xf32>
      %dot_general3A_539 = arith.constant dense<0.000000e+00> : vector<77x1024xf32>
      %dot_general3A_540 = tpu.matmul %slice3A_537, %slice3A_538, %dot_general3A_539 {dimension_numbers = #tpu.dot_dimension_numbers<[1], [0], [0], [1], [0, 0, 1, 1], [], []>, transpose_lhs_hint = false} : vector<77x64xf32>, vector<64x1024xf32>, vector<77x1024xf32> -> vector<77x1024xf32>
      %mul3A_541 = arith.constant 1.250000e-01 : f32
      %mul3A_542 = vector.broadcast %mul3A_541 : f32 to vector<77x1024xf32>
      %mul3A_543 = arith.mulf %dot_general3A_540, %mul3A_542 : vector<77x1024xf32>
      %reduce_max3A_544 = arith.constant dense<0xFF800000> : vector<1024xf32>
      %reduce_max3A_545 = vector.multi_reduction <maximumf>, %mul3A_543, %reduce_max3A_544 [0] : vector<77x1024xf32> to vector<1024xf32>
      %broadcast_in_dim3A_546 = vector.shape_cast %reduce_max3A_545 : vector<1024xf32> to vector<1x1024xf32>
      %sub3A_547 = vector.broadcast %broadcast_in_dim3A_546 : vector<1x1024xf32> to vector<77x1024xf32>
      %sub3A_548 = arith.subf %mul3A_543, %sub3A_547 : vector<77x1024xf32>
      %exp3A_549 = math.exp %sub3A_548 : vector<77x1024xf32>
      %reduce_sum3A_550 = arith.constant dense<0.000000e+00> : vector<1024xf32>
      %reduce_sum3A_551 = vector.multi_reduction <add>, %exp3A_549, %reduce_sum3A_550 [0] : vector<77x1024xf32> to vector<1024xf32>
      %broadcast_in_dim3A_552 = vector.shape_cast %reduce_sum3A_551 : vector<1024xf32> to vector<1x1024xf32>
      %div3A_553 = vector.broadcast %broadcast_in_dim3A_552 : vector<1x1024xf32> to vector<77x1024xf32>
      %div3A_554 = arith.divf %exp3A_549, %div3A_553 : vector<77x1024xf32>
      %slice3A_555 = vector.extract_strided_slice %dot_general3A_512 {offsets = [0, 64], sizes = [77, 64], strides = [1, 1]} : vector<77x512xf32> to vector<77x64xf32>
      %dot_general3A_556 = arith.constant dense<0.000000e+00> : vector<64x1024xf32>
      %dot_general3A_557 = tpu.matmul %slice3A_555, %div3A_554, %dot_general3A_556 {dimension_numbers = #tpu.dot_dimension_numbers<[0], [0], [1], [1], [0, 1, 1, 1], [], []>, transpose_lhs_hint = false} : vector<77x64xf32>, vector<77x1024xf32>, vector<64x1024xf32> -> vector<64x1024xf32>
      %slice3A_558 = vector.extract_strided_slice %dot_general3A_507 {offsets = [0, 128], sizes = [77, 64], strides = [1, 1]} : vector<77x512xf32> to vector<77x64xf32>
      %slice3A_559 = vector.extract_strided_slice %dot_general3A_517 {offsets = [128, 0], sizes = [64, 1024], strides = [1, 1]} : vector<512x1024xf32> to vector<64x1024xf32>
      %dot_general3A_560 = arith.constant dense<0.000000e+00> : vector<77x1024xf32>
      %dot_general3A_561 = tpu.matmul %slice3A_558, %slice3A_559, %dot_general3A_560 {dimension_numbers = #tpu.dot_dimension_numbers<[1], [0], [0], [1], [0, 0, 1, 1], [], []>, transpose_lhs_hint = false} : vector<77x64xf32>, vector<64x1024xf32>, vector<77x1024xf32> -> vector<77x1024xf32>
      %mul3A_562 = arith.constant 1.250000e-01 : f32
      %mul3A_563 = vector.broadcast %mul3A_562 : f32 to vector<77x1024xf32>
      %mul3A_564 = arith.mulf %dot_general3A_561, %mul3A_563 : vector<77x1024xf32>
      %reduce_max3A_565 = arith.constant dense<0xFF800000> : vector<1024xf32>
      %reduce_max3A_566 = vector.multi_reduction <maximumf>, %mul3A_564, %reduce_max3A_565 [0] : vector<77x1024xf32> to vector<1024xf32>
      %broadcast_in_dim3A_567 = vector.shape_cast %reduce_max3A_566 : vector<1024xf32> to vector<1x1024xf32>
      %sub3A_568 = vector.broadcast %broadcast_in_dim3A_567 : vector<1x1024xf32> to vector<77x1024xf32>
      %sub3A_569 = arith.subf %mul3A_564, %sub3A_568 : vector<77x1024xf32>
      %exp3A_570 = math.exp %sub3A_569 : vector<77x1024xf32>
      %reduce_sum3A_571 = arith.constant dense<0.000000e+00> : vector<1024xf32>
      %reduce_sum3A_572 = vector.multi_reduction <add>, %exp3A_570, %reduce_sum3A_571 [0] : vector<77x1024xf32> to vector<1024xf32>
      %broadcast_in_dim3A_573 = vector.shape_cast %reduce_sum3A_572 : vector<1024xf32> to vector<1x1024xf32>
      %div3A_574 = vector.broadcast %broadcast_in_dim3A_573 : vector<1x1024xf32> to vector<77x1024xf32>
      %div3A_575 = arith.divf %exp3A_570, %div3A_574 : vector<77x1024xf32>
      %slice3A_576 = vector.extract_strided_slice %dot_general3A_512 {offsets = [0, 128], sizes = [77, 64], strides = [1, 1]} : vector<77x512xf32> to vector<77x64xf32>
      %dot_general3A_577 = arith.constant dense<0.000000e+00> : vector<64x1024xf32>
      %dot_general3A_578 = tpu.matmul %slice3A_576, %div3A_575, %dot_general3A_577 {dimension_numbers = #tpu.dot_dimension_numbers<[0], [0], [1], [1], [0, 1, 1, 1], [], []>, transpose_lhs_hint = false} : vector<77x64xf32>, vector<77x1024xf32>, vector<64x1024xf32> -> vector<64x1024xf32>
      %slice3A_579 = vector.extract_strided_slice %dot_general3A_507 {offsets = [0, 192], sizes = [77, 64], strides = [1, 1]} : vector<77x512xf32> to vector<77x64xf32>
      %slice3A_580 = vector.extract_strided_slice %dot_general3A_517 {offsets = [192, 0], sizes = [64, 1024], strides = [1, 1]} : vector<512x1024xf32> to vector<64x1024xf32>
      %dot_general3A_581 = arith.constant dense<0.000000e+00> : vector<77x1024xf32>
      %dot_general3A_582 = tpu.matmul %slice3A_579, %slice3A_580, %dot_general3A_581 {dimension_numbers = #tpu.dot_dimension_numbers<[1], [0], [0], [1], [0, 0, 1, 1], [], []>, transpose_lhs_hint = false} : vector<77x64xf32>, vector<64x1024xf32>, vector<77x1024xf32> -> vector<77x1024xf32>
      %mul3A_583 = arith.constant 1.250000e-01 : f32
      %mul3A_584 = vector.broadcast %mul3A_583 : f32 to vector<77x1024xf32>
      %mul3A_585 = arith.mulf %dot_general3A_582, %mul3A_584 : vector<77x1024xf32>
      %reduce_max3A_586 = arith.constant dense<0xFF800000> : vector<1024xf32>
      %reduce_max3A_587 = vector.multi_reduction <maximumf>, %mul3A_585, %reduce_max3A_586 [0] : vector<77x1024xf32> to vector<1024xf32>
      %broadcast_in_dim3A_588 = vector.shape_cast %reduce_max3A_587 : vector<1024xf32> to vector<1x1024xf32>
      %sub3A_589 = vector.broadcast %broadcast_in_dim3A_588 : vector<1x1024xf32> to vector<77x1024xf32>
      %sub3A_590 = arith.subf %mul3A_585, %sub3A_589 : vector<77x1024xf32>
      %exp3A_591 = math.exp %sub3A_590 : vector<77x1024xf32>
      %reduce_sum3A_592 = arith.constant dense<0.000000e+00> : vector<1024xf32>
      %reduce_sum3A_593 = vector.multi_reduction <add>, %exp3A_591, %reduce_sum3A_592 [0] : vector<77x1024xf32> to vector<1024xf32>
      %broadcast_in_dim3A_594 = vector.shape_cast %reduce_sum3A_593 : vector<1024xf32> to vector<1x1024xf32>
      %div3A_595 = vector.broadcast %broadcast_in_dim3A_594 : vector<1x1024xf32> to vector<77x1024xf32>
      %div3A_596 = arith.divf %exp3A_591, %div3A_595 : vector<77x1024xf32>
      %slice3A_597 = vector.extract_strided_slice %dot_general3A_512 {offsets = [0, 192], sizes = [77, 64], strides = [1, 1]} : vector<77x512xf32> to vector<77x64xf32>
      %dot_general3A_598 = arith.constant dense<0.000000e+00> : vector<64x1024xf32>
      %dot_general3A_599 = tpu.matmul %slice3A_597, %div3A_596, %dot_general3A_598 {dimension_numbers = #tpu.dot_dimension_numbers<[0], [0], [1], [1], [0, 1, 1, 1], [], []>, transpose_lhs_hint = false} : vector<77x64xf32>, vector<77x1024xf32>, vector<64x1024xf32> -> vector<64x1024xf32>
      %slice3A_600 = vector.extract_strided_slice %dot_general3A_507 {offsets = [0, 256], sizes = [77, 64], strides = [1, 1]} : vector<77x512xf32> to vector<77x64xf32>
      %slice3A_601 = vector.extract_strided_slice %dot_general3A_517 {offsets = [256, 0], sizes = [64, 1024], strides = [1, 1]} : vector<512x1024xf32> to vector<64x1024xf32>
      %dot_general3A_602 = arith.constant dense<0.000000e+00> : vector<77x1024xf32>
      %dot_general3A_603 = tpu.matmul %slice3A_600, %slice3A_601, %dot_general3A_602 {dimension_numbers = #tpu.dot_dimension_numbers<[1], [0], [0], [1], [0, 0, 1, 1], [], []>, transpose_lhs_hint = false} : vector<77x64xf32>, vector<64x1024xf32>, vector<77x1024xf32> -> vector<77x1024xf32>
      %mul3A_604 = arith.constant 1.250000e-01 : f32
      %mul3A_605 = vector.broadcast %mul3A_604 : f32 to vector<77x1024xf32>
      %mul3A_606 = arith.mulf %dot_general3A_603, %mul3A_605 : vector<77x1024xf32>
      %reduce_max3A_607 = arith.constant dense<0xFF800000> : vector<1024xf32>
      %reduce_max3A_608 = vector.multi_reduction <maximumf>, %mul3A_606, %reduce_max3A_607 [0] : vector<77x1024xf32> to vector<1024xf32>
      %broadcast_in_dim3A_609 = vector.shape_cast %reduce_max3A_608 : vector<1024xf32> to vector<1x1024xf32>
      %sub3A_610 = vector.broadcast %broadcast_in_dim3A_609 : vector<1x1024xf32> to vector<77x1024xf32>
      %sub3A_611 = arith.subf %mul3A_606, %sub3A_610 : vector<77x1024xf32>
      %exp3A_612 = math.exp %sub3A_611 : vector<77x1024xf32>
      %reduce_sum3A_613 = arith.constant dense<0.000000e+00> : vector<1024xf32>
      %reduce_sum3A_614 = vector.multi_reduction <add>, %exp3A_612, %reduce_sum3A_613 [0] : vector<77x1024xf32> to vector<1024xf32>
      %broadcast_in_dim3A_615 = vector.shape_cast %reduce_sum3A_614 : vector<1024xf32> to vector<1x1024xf32>
      %div3A_616 = vector.broadcast %broadcast_in_dim3A_615 : vector<1x1024xf32> to vector<77x1024xf32>
      %div3A_617 = arith.divf %exp3A_612, %div3A_616 : vector<77x1024xf32>
      %slice3A_618 = vector.extract_strided_slice %dot_general3A_512 {offsets = [0, 256], sizes = [77, 64], strides = [1, 1]} : vector<77x512xf32> to vector<77x64xf32>
      %dot_general3A_619 = arith.constant dense<0.000000e+00> : vector<64x1024xf32>
      %dot_general3A_620 = tpu.matmul %slice3A_618, %div3A_617, %dot_general3A_619 {dimension_numbers = #tpu.dot_dimension_numbers<[0], [0], [1], [1], [0, 1, 1, 1], [], []>, transpose_lhs_hint = false} : vector<77x64xf32>, vector<77x1024xf32>, vector<64x1024xf32> -> vector<64x1024xf32>
      %slice3A_621 = vector.extract_strided_slice %dot_general3A_507 {offsets = [0, 320], sizes = [77, 64], strides = [1, 1]} : vector<77x512xf32> to vector<77x64xf32>
      %slice3A_622 = vector.extract_strided_slice %dot_general3A_517 {offsets = [320, 0], sizes = [64, 1024], strides = [1, 1]} : vector<512x1024xf32> to vector<64x1024xf32>
      %dot_general3A_623 = arith.constant dense<0.000000e+00> : vector<77x1024xf32>
      %dot_general3A_624 = tpu.matmul %slice3A_621, %slice3A_622, %dot_general3A_623 {dimension_numbers = #tpu.dot_dimension_numbers<[1], [0], [0], [1], [0, 0, 1, 1], [], []>, transpose_lhs_hint = false} : vector<77x64xf32>, vector<64x1024xf32>, vector<77x1024xf32> -> vector<77x1024xf32>
      %mul3A_625 = arith.constant 1.250000e-01 : f32
      %mul3A_626 = vector.broadcast %mul3A_625 : f32 to vector<77x1024xf32>
      %mul3A_627 = arith.mulf %dot_general3A_624, %mul3A_626 : vector<77x1024xf32>
      %reduce_max3A_628 = arith.constant dense<0xFF800000> : vector<1024xf32>
      %reduce_max3A_629 = vector.multi_reduction <maximumf>, %mul3A_627, %reduce_max3A_628 [0] : vector<77x1024xf32> to vector<1024xf32>
      %broadcast_in_dim3A_630 = vector.shape_cast %reduce_max3A_629 : vector<1024xf32> to vector<1x1024xf32>
      %sub3A_631 = vector.broadcast %broadcast_in_dim3A_630 : vector<1x1024xf32> to vector<77x1024xf32>
      %sub3A_632 = arith.subf %mul3A_627, %sub3A_631 : vector<77x1024xf32>
      %exp3A_633 = math.exp %sub3A_632 : vector<77x1024xf32>
      %reduce_sum3A_634 = arith.constant dense<0.000000e+00> : vector<1024xf32>
      %reduce_sum3A_635 = vector.multi_reduction <add>, %exp3A_633, %reduce_sum3A_634 [0] : vector<77x1024xf32> to vector<1024xf32>
      %broadcast_in_dim3A_636 = vector.shape_cast %reduce_sum3A_635 : vector<1024xf32> to vector<1x1024xf32>
      %div3A_637 = vector.broadcast %broadcast_in_dim3A_636 : vector<1x1024xf32> to vector<77x1024xf32>
      %div3A_638 = arith.divf %exp3A_633, %div3A_637 : vector<77x1024xf32>
      %slice3A_639 = vector.extract_strided_slice %dot_general3A_512 {offsets = [0, 320], sizes = [77, 64], strides = [1, 1]} : vector<77x512xf32> to vector<77x64xf32>
      %dot_general3A_640 = arith.constant dense<0.000000e+00> : vector<64x1024xf32>
      %dot_general3A_641 = tpu.matmul %slice3A_639, %div3A_638, %dot_general3A_640 {dimension_numbers = #tpu.dot_dimension_numbers<[0], [0], [1], [1], [0, 1, 1, 1], [], []>, transpose_lhs_hint = false} : vector<77x64xf32>, vector<77x1024xf32>, vector<64x1024xf32> -> vector<64x1024xf32>
      %slice3A_642 = vector.extract_strided_slice %dot_general3A_507 {offsets = [0, 384], sizes = [77, 64], strides = [1, 1]} : vector<77x512xf32> to vector<77x64xf32>
      %slice3A_643 = vector.extract_strided_slice %dot_general3A_517 {offsets = [384, 0], sizes = [64, 1024], strides = [1, 1]} : vector<512x1024xf32> to vector<64x1024xf32>
      %dot_general3A_644 = arith.constant dense<0.000000e+00> : vector<77x1024xf32>
      %dot_general3A_645 = tpu.matmul %slice3A_642, %slice3A_643, %dot_general3A_644 {dimension_numbers = #tpu.dot_dimension_numbers<[1], [0], [0], [1], [0, 0, 1, 1], [], []>, transpose_lhs_hint = false} : vector<77x64xf32>, vector<64x1024xf32>, vector<77x1024xf32> -> vector<77x1024xf32>
      %mul3A_646 = arith.constant 1.250000e-01 : f32
      %mul3A_647 = vector.broadcast %mul3A_646 : f32 to vector<77x1024xf32>
      %mul3A_648 = arith.mulf %dot_general3A_645, %mul3A_647 : vector<77x1024xf32>
      %reduce_max3A_649 = arith.constant dense<0xFF800000> : vector<1024xf32>
      %reduce_max3A_650 = vector.multi_reduction <maximumf>, %mul3A_648, %reduce_max3A_649 [0] : vector<77x1024xf32> to vector<1024xf32>
      %broadcast_in_dim3A_651 = vector.shape_cast %reduce_max3A_650 : vector<1024xf32> to vector<1x1024xf32>
      %sub3A_652 = vector.broadcast %broadcast_in_dim3A_651 : vector<1x1024xf32> to vector<77x1024xf32>
      %sub3A_653 = arith.subf %mul3A_648, %sub3A_652 : vector<77x1024xf32>
      %exp3A_654 = math.exp %sub3A_653 : vector<77x1024xf32>
      %reduce_sum3A_655 = arith.constant dense<0.000000e+00> : vector<1024xf32>
      %reduce_sum3A_656 = vector.multi_reduction <add>, %exp3A_654, %reduce_sum3A_655 [0] : vector<77x1024xf32> to vector<1024xf32>
      %broadcast_in_dim3A_657 = vector.shape_cast %reduce_sum3A_656 : vector<1024xf32> to vector<1x1024xf32>
      %div3A_658 = vector.broadcast %broadcast_in_dim3A_657 : vector<1x1024xf32> to vector<77x1024xf32>
      %div3A_659 = arith.divf %exp3A_654, %div3A_658 : vector<77x1024xf32>
      %slice3A_660 = vector.extract_strided_slice %dot_general3A_512 {offsets = [0, 384], sizes = [77, 64], strides = [1, 1]} : vector<77x512xf32> to vector<77x64xf32>
      %dot_general3A_661 = arith.constant dense<0.000000e+00> : vector<64x1024xf32>
      %dot_general3A_662 = tpu.matmul %slice3A_660, %div3A_659, %dot_general3A_661 {dimension_numbers = #tpu.dot_dimension_numbers<[0], [0], [1], [1], [0, 1, 1, 1], [], []>, transpose_lhs_hint = false} : vector<77x64xf32>, vector<77x1024xf32>, vector<64x1024xf32> -> vector<64x1024xf32>
      %slice3A_663 = vector.extract_strided_slice %dot_general3A_507 {offsets = [0, 448], sizes = [77, 64], strides = [1, 1]} : vector<77x512xf32> to vector<77x64xf32>
      %slice3A_664 = vector.extract_strided_slice %dot_general3A_517 {offsets = [448, 0], sizes = [64, 1024], strides = [1, 1]} : vector<512x1024xf32> to vector<64x1024xf32>
      %dot_general3A_665 = arith.constant dense<0.000000e+00> : vector<77x1024xf32>
      %dot_general3A_666 = tpu.matmul %slice3A_663, %slice3A_664, %dot_general3A_665 {dimension_numbers = #tpu.dot_dimension_numbers<[1], [0], [0], [1], [0, 0, 1, 1], [], []>, transpose_lhs_hint = false} : vector<77x64xf32>, vector<64x1024xf32>, vector<77x1024xf32> -> vector<77x1024xf32>
      %mul3A_667 = arith.constant 1.250000e-01 : f32
      %mul3A_668 = vector.broadcast %mul3A_667 : f32 to vector<77x1024xf32>
      %mul3A_669 = arith.mulf %dot_general3A_666, %mul3A_668 : vector<77x1024xf32>
      %reduce_max3A_670 = arith.constant dense<0xFF800000> : vector<1024xf32>
      %reduce_max3A_671 = vector.multi_reduction <maximumf>, %mul3A_669, %reduce_max3A_670 [0] : vector<77x1024xf32> to vector<1024xf32>
      %broadcast_in_dim3A_672 = vector.shape_cast %reduce_max3A_671 : vector<1024xf32> to vector<1x1024xf32>
      %sub3A_673 = vector.broadcast %broadcast_in_dim3A_672 : vector<1x1024xf32> to vector<77x1024xf32>
      %sub3A_674 = arith.subf %mul3A_669, %sub3A_673 : vector<77x1024xf32>
      %exp3A_675 = math.exp %sub3A_674 : vector<77x1024xf32>
      %reduce_sum3A_676 = arith.constant dense<0.000000e+00> : vector<1024xf32>
      %reduce_sum3A_677 = vector.multi_reduction <add>, %exp3A_675, %reduce_sum3A_676 [0] : vector<77x1024xf32> to vector<1024xf32>
      %broadcast_in_dim3A_678 = vector.shape_cast %reduce_sum3A_677 : vector<1024xf32> to vector<1x1024xf32>
      %div3A_679 = vector.broadcast %broadcast_in_dim3A_678 : vector<1x1024xf32> to vector<77x1024xf32>
      %div3A_680 = arith.divf %exp3A_675, %div3A_679 : vector<77x1024xf32>
      %slice3A_681 = vector.extract_strided_slice %dot_general3A_512 {offsets = [0, 448], sizes = [77, 64], strides = [1, 1]} : vector<77x512xf32> to vector<77x64xf32>
      %dot_general3A_682 = arith.constant dense<0.000000e+00> : vector<64x1024xf32>
      %dot_general3A_683 = tpu.matmul %slice3A_681, %div3A_680, %dot_general3A_682 {dimension_numbers = #tpu.dot_dimension_numbers<[0], [0], [1], [1], [0, 1, 1, 1], [], []>, transpose_lhs_hint = false} : vector<77x64xf32>, vector<77x1024xf32>, vector<64x1024xf32> -> vector<64x1024xf32>
      %concatenate3A_684 = tpu.concatenate %dot_general3A_536, %dot_general3A_557, %dot_general3A_578, %dot_general3A_599, %dot_general3A_620, %dot_general3A_641, %dot_general3A_662, %dot_general3A_683 in 0 : vector<64x1024xf32>, vector<64x1024xf32>, vector<64x1024xf32>, vector<64x1024xf32>, vector<64x1024xf32>, vector<64x1024xf32>, vector<64x1024xf32>, vector<64x1024xf32> -> vector<512x1024xf32>
      %get3A_685 = arith.constant 0 : index
      %get3A_686 = arith.constant 0 : index
      %get3A_687 = vector.load %arg19[%get3A_685, %get3A_686] : memref<512x512xf32, #tpu.memory_space<vmem>>, vector<512x512xf32>
      %dot_general3A_688 = arith.constant dense<0.000000e+00> : vector<512x1024xf32>
      %dot_general3A_689 = tpu.matmul %get3A_687, %concatenate3A_684, %dot_general3A_688 {dimension_numbers = #tpu.dot_dimension_numbers<[1], [0], [0], [1], [0, 0, 1, 1], [], []>, transpose_lhs_hint = false} : vector<512x512xf32>, vector<512x1024xf32>, vector<512x1024xf32> -> vector<512x1024xf32>
      %get3A_690 = arith.constant 0 : index
      %get3A_691 = arith.constant 0 : index
      %get3A_692 = vector.load %arg20[%get3A_690, %get3A_691] : memref<512x1xf32, #tpu.memory_space<vmem>>, vector<512x1xf32>
      %add3A_693 = vector.broadcast %get3A_692 : vector<512x1xf32> to vector<512x1024xf32>
      %add3A_694 = arith.addf %dot_general3A_689, %add3A_693 : vector<512x1024xf32>
      %add3A_695 = arith.addf %add3A_459, %add3A_694 : vector<512x1024xf32>
      %broadcast_in_dim3A_696 = arith.constant 1.000000e+00 : f32
      %broadcast_in_dim3A_697 = vector.broadcast %broadcast_in_dim3A_696 : f32 to vector<1x1024xf32>
      %dot_general3A_698 = arith.constant dense<0.000000e+00> : vector<1x512xf32>
      %dot_general3A_699 = tpu.matmul %broadcast_in_dim3A_697, %add3A_695, %dot_general3A_698 {dimension_numbers = #tpu.dot_dimension_numbers<[1], [1], [0], [0], [0, 0, 1, 0], [], []>, transpose_lhs_hint = false} : vector<1x1024xf32>, vector<512x1024xf32>, vector<1x512xf32> -> vector<1x512xf32>
      %div3A_700 = arith.constant 1.024000e+03 : f32
      %div3A_701 = vector.broadcast %div3A_700 : f32 to vector<1x512xf32>
      %div3A_702 = arith.divf %dot_general3A_699, %div3A_701 : vector<1x512xf32>
      %sub3A_703 = arith.constant 1 : i32
      %sub3A_704 = arith.subi %arg0, %sub3A_703 : i32
      %swap3A = arith.index_cast %sub3A_704 : i32 to index
      %swap3A_705 = arith.constant 0 : index
      %swap3A_706 = vector.load %arg30[%swap3A, %swap3A_705] : memref<4x512xf32, #tpu.memory_space<vmem>>, vector<1x512xf32>
      tpu.vector_store %arg30[%swap3A, %swap3A_705], %div3A_702 {strides = array<i32>} : memref<4x512xf32, #tpu.memory_space<vmem>>, vector<1x512xf32>,
    } else {
    }
    %eq3A_18 = arith.constant 4 : i32
    %eq3A_19 = arith.cmpi eq, %arg0, %eq3A_18 : i32
    %eq3A_20 = arith.constant 0 : i32
    %eq3A_21 = arith.cmpi eq, %arg1, %eq3A_20 : i32
    %and3A_22 = arith.andi %eq3A_19, %eq3A_21 : i1
    %convert_element_type3A_23 = arith.extui %and3A_22 : i1 to i32
    %cond3A_24 = arith.constant 0 : i32
    %cond3A_25 = arith.cmpi ne, %convert_element_type3A_23, %cond3A_24 : i32
    scf.if %cond3A_25 {
      %get3A = arith.constant 0 : index
      %get3A_26 = arith.constant 0 : index
      %get3A_27 = vector.load %arg30[%get3A, %get3A_26] : memref<4x512xf32, #tpu.memory_space<vmem>>, vector<4x512xf32>
      %get3A_28 = arith.constant 0 : index
      %get3A_29 = arith.constant 0 : index
      %get3A_30 = vector.load %arg21[%get3A_28, %get3A_29] : memref<512x4xf32, #tpu.memory_space<vmem>>, vector<512x4xf32>
      %dot_general3A = arith.constant dense<0.000000e+00> : vector<4x4xf32>
      %dot_general3A_31 = tpu.matmul %get3A_27, %get3A_30, %dot_general3A {dimension_numbers = #tpu.dot_dimension_numbers<[1], [0], [0], [1], [0, 0, 1, 1], [], []>, transpose_lhs_hint = false} : vector<4x512xf32>, vector<512x4xf32>, vector<4x4xf32> -> vector<4x4xf32>
      %get3A_32 = arith.constant 0 : index
      %get3A_33 = arith.constant 0 : index
      %get3A_34 = vector.load %arg22[%get3A_32, %get3A_33] : memref<1x4xf32, #tpu.memory_space<vmem>>, vector<1x4xf32>
      %add3A = vector.broadcast %get3A_34 : vector<1x4xf32> to vector<4x4xf32>
      %add3A_35 = arith.addf %dot_general3A_31, %add3A : vector<4x4xf32>
      %get3A_36 = arith.constant 0 : index
      %get3A_37 = arith.constant 0 : index
      %get3A_38 = arith.constant 0 : index
      %get3A_39 = vector.load %arg23[%get3A_36, %get3A_37, %get3A_38] : memref<4x512x512xf32, #tpu.memory_space<vmem>>, vector<1x512x512xf32>
      %get3A_40 = vector.shape_cast %get3A_39 : vector<1x512x512xf32> to vector<512x512xf32>
      %dot_general3A_41 = arith.constant dense<0.000000e+00> : vector<4x512xf32>
      %dot_general3A_42 = tpu.matmul %get3A_27, %get3A_40, %dot_general3A_41 {dimension_numbers = #tpu.dot_dimension_numbers<[1], [0], [0], [1], [0, 0, 1, 1], [], []>, transpose_lhs_hint = false} : vector<4x512xf32>, vector<512x512xf32>, vector<4x512xf32> -> vector<4x512xf32>
      %get3A_43 = arith.constant 0 : index
      %get3A_44 = arith.constant 0 : index
      %get3A_45 = arith.constant 0 : index
      %get3A_46 = vector.load %arg24[%get3A_43, %get3A_44, %get3A_45] : memref<4x1x512xf32, #tpu.memory_space<vmem>>, vector<1x1x512xf32>
      %get3A_47 = vector.shape_cast %get3A_46 : vector<1x1x512xf32> to vector<1x512xf32>
      %add3A_48 = vector.broadcast %get3A_47 : vector<1x512xf32> to vector<4x512xf32>
      %add3A_49 = arith.addf %dot_general3A_42, %add3A_48 : vector<4x512xf32>
      %mul3A = arith.constant 5.000000e-01 : f32
      %mul3A_50 = vector.broadcast %mul3A : f32 to vector<4x512xf32>
      %mul3A_51 = arith.mulf %mul3A_50, %add3A_49 : vector<4x512xf32>
      %mul3A_52 = arith.constant 0.707106769 : f32
      %mul3A_53 = vector.broadcast %mul3A_52 : f32 to vector<4x512xf32>
      %mul3A_54 = arith.mulf %add3A_49, %mul3A_53 : vector<4x512xf32>
      %erf3A = math.erf %mul3A_54 : vector<4x512xf32>
      %add3A_55 = arith.constant 1.000000e+00 : f32
      %add3A_56 = vector.broadcast %add3A_55 : f32 to vector<4x512xf32>
      %add3A_57 = arith.addf %add3A_56, %erf3A : vector<4x512xf32>
      %mul3A_58 = arith.mulf %mul3A_51, %add3A_57 : vector<4x512xf32>
      %get3A_59 = arith.constant 0 : index
      %get3A_60 = arith.constant 0 : index
      %get3A_61 = arith.constant 0 : index
      %get3A_62 = vector.load %arg25[%get3A_59, %get3A_60, %get3A_61] : memref<4x512x1xf32, #tpu.memory_space<vmem>>, vector<1x512x1xf32>
      %get3A_63 = vector.shape_cast %get3A_62 : vector<1x512x1xf32> to vector<512x1xf32>
      %dot_general3A_64 = arith.constant dense<0.000000e+00> : vector<4x1xf32>
      %dot_general3A_65 = tpu.matmul %mul3A_58, %get3A_63, %dot_general3A_64 {dimension_numbers = #tpu.dot_dimension_numbers<[1], [0], [0], [1], [0, 0, 1, 1], [], []>, transpose_lhs_hint = false} : vector<4x512xf32>, vector<512x1xf32>, vector<4x1xf32> -> vector<4x1xf32>
      %get3A_66 = arith.constant 0 : index
      %get3A_67 = arith.constant 0 : index
      %get3A_68 = arith.constant 0 : index
      %get3A_69 = vector.load %arg26[%get3A_66, %get3A_67, %get3A_68] : memref<4x1x1xf32, #tpu.memory_space<vmem>>, vector<1x1x1xf32>
      %get3A_70 = vector.shape_cast %get3A_69 : vector<1x1x1xf32> to vector<1x1xf32>
      %add3A_71 = vector.broadcast %get3A_70 : vector<1x1xf32> to vector<4x1xf32>
      %add3A_72 = arith.addf %dot_general3A_65, %add3A_71 : vector<4x1xf32>
      %get3A_73 = arith.constant 1 : index
      %get3A_74 = arith.constant 0 : index
      %get3A_75 = arith.constant 0 : index
      %get3A_76 = vector.load %arg23[%get3A_73, %get3A_74, %get3A_75] : memref<4x512x512xf32, #tpu.memory_space<vmem>>, vector<1x512x512xf32>
      %get3A_77 = vector.shape_cast %get3A_76 : vector<1x512x512xf32> to vector<512x512xf32>
      %dot_general3A_78 = arith.constant dense<0.000000e+00> : vector<4x512xf32>
      %dot_general3A_79 = tpu.matmul %get3A_27, %get3A_77, %dot_general3A_78 {dimension_numbers = #tpu.dot_dimension_numbers<[1], [0], [0], [1], [0, 0, 1, 1], [], []>, transpose_lhs_hint = false} : vector<4x512xf32>, vector<512x512xf32>, vector<4x512xf32> -> vector<4x512xf32>
      %get3A_80 = arith.constant 1 : index
      %get3A_81 = arith.constant 0 : index
      %get3A_82 = arith.constant 0 : index
      %get3A_83 = vector.load %arg24[%get3A_80, %get3A_81, %get3A_82] : memref<4x1x512xf32, #tpu.memory_space<vmem>>, vector<1x1x512xf32>
      %get3A_84 = vector.shape_cast %get3A_83 : vector<1x1x512xf32> to vector<1x512xf32>
      %add3A_85 = vector.broadcast %get3A_84 : vector<1x512xf32> to vector<4x512xf32>
      %add3A_86 = arith.addf %dot_general3A_79, %add3A_85 : vector<4x512xf32>
      %mul3A_87 = arith.constant 5.000000e-01 : f32
      %mul3A_88 = vector.broadcast %mul3A_87 : f32 to vector<4x512xf32>
      %mul3A_89 = arith.mulf %mul3A_88, %add3A_86 : vector<4x512xf32>
      %mul3A_90 = arith.constant 0.707106769 : f32
      %mul3A_91 = vector.broadcast %mul3A_90 : f32 to vector<4x512xf32>
      %mul3A_92 = arith.mulf %add3A_86, %mul3A_91 : vector<4x512xf32>
      %erf3A_93 = math.erf %mul3A_92 : vector<4x512xf32>
      %add3A_94 = arith.constant 1.000000e+00 : f32
      %add3A_95 = vector.broadcast %add3A_94 : f32 to vector<4x512xf32>
      %add3A_96 = arith.addf %add3A_95, %erf3A_93 : vector<4x512xf32>
      %mul3A_97 = arith.mulf %mul3A_89, %add3A_96 : vector<4x512xf32>
      %get3A_98 = arith.constant 1 : index
      %get3A_99 = arith.constant 0 : index
      %get3A_100 = arith.constant 0 : index
      %get3A_101 = vector.load %arg25[%get3A_98, %get3A_99, %get3A_100] : memref<4x512x1xf32, #tpu.memory_space<vmem>>, vector<1x512x1xf32>
      %get3A_102 = vector.shape_cast %get3A_101 : vector<1x512x1xf32> to vector<512x1xf32>
      %dot_general3A_103 = arith.constant dense<0.000000e+00> : vector<4x1xf32>
      %dot_general3A_104 = tpu.matmul %mul3A_97, %get3A_102, %dot_general3A_103 {dimension_numbers = #tpu.dot_dimension_numbers<[1], [0], [0], [1], [0, 0, 1, 1], [], []>, transpose_lhs_hint = false} : vector<4x512xf32>, vector<512x1xf32>, vector<4x1xf32> -> vector<4x1xf32>
      %get3A_105 = arith.constant 1 : index
      %get3A_106 = arith.constant 0 : index
      %get3A_107 = arith.constant 0 : index
      %get3A_108 = vector.load %arg26[%get3A_105, %get3A_106, %get3A_107] : memref<4x1x1xf32, #tpu.memory_space<vmem>>, vector<1x1x1xf32>
      %get3A_109 = vector.shape_cast %get3A_108 : vector<1x1x1xf32> to vector<1x1xf32>
      %add3A_110 = vector.broadcast %get3A_109 : vector<1x1xf32> to vector<4x1xf32>
      %add3A_111 = arith.addf %dot_general3A_104, %add3A_110 : vector<4x1xf32>
      %get3A_112 = arith.constant 2 : index
      %get3A_113 = arith.constant 0 : index
      %get3A_114 = arith.constant 0 : index
      %get3A_115 = vector.load %arg23[%get3A_112, %get3A_113, %get3A_114] : memref<4x512x512xf32, #tpu.memory_space<vmem>>, vector<1x512x512xf32>
      %get3A_116 = vector.shape_cast %get3A_115 : vector<1x512x512xf32> to vector<512x512xf32>
      %dot_general3A_117 = arith.constant dense<0.000000e+00> : vector<4x512xf32>
      %dot_general3A_118 = tpu.matmul %get3A_27, %get3A_116, %dot_general3A_117 {dimension_numbers = #tpu.dot_dimension_numbers<[1], [0], [0], [1], [0, 0, 1, 1], [], []>, transpose_lhs_hint = false} : vector<4x512xf32>, vector<512x512xf32>, vector<4x512xf32> -> vector<4x512xf32>
      %get3A_119 = arith.constant 2 : index
      %get3A_120 = arith.constant 0 : index
      %get3A_121 = arith.constant 0 : index
      %get3A_122 = vector.load %arg24[%get3A_119, %get3A_120, %get3A_121] : memref<4x1x512xf32, #tpu.memory_space<vmem>>, vector<1x1x512xf32>
      %get3A_123 = vector.shape_cast %get3A_122 : vector<1x1x512xf32> to vector<1x512xf32>
      %add3A_124 = vector.broadcast %get3A_123 : vector<1x512xf32> to vector<4x512xf32>
      %add3A_125 = arith.addf %dot_general3A_118, %add3A_124 : vector<4x512xf32>
      %mul3A_126 = arith.constant 5.000000e-01 : f32
      %mul3A_127 = vector.broadcast %mul3A_126 : f32 to vector<4x512xf32>
      %mul3A_128 = arith.mulf %mul3A_127, %add3A_125 : vector<4x512xf32>
      %mul3A_129 = arith.constant 0.707106769 : f32
      %mul3A_130 = vector.broadcast %mul3A_129 : f32 to vector<4x512xf32>
      %mul3A_131 = arith.mulf %add3A_125, %mul3A_130 : vector<4x512xf32>
      %erf3A_132 = math.erf %mul3A_131 : vector<4x512xf32>
      %add3A_133 = arith.constant 1.000000e+00 : f32
      %add3A_134 = vector.broadcast %add3A_133 : f32 to vector<4x512xf32>
      %add3A_135 = arith.addf %add3A_134, %erf3A_132 : vector<4x512xf32>
      %mul3A_136 = arith.mulf %mul3A_128, %add3A_135 : vector<4x512xf32>
      %get3A_137 = arith.constant 2 : index
      %get3A_138 = arith.constant 0 : index
      %get3A_139 = arith.constant 0 : index
      %get3A_140 = vector.load %arg25[%get3A_137, %get3A_138, %get3A_139] : memref<4x512x1xf32, #tpu.memory_space<vmem>>, vector<1x512x1xf32>
      %get3A_141 = vector.shape_cast %get3A_140 : vector<1x512x1xf32> to vector<512x1xf32>
      %dot_general3A_142 = arith.constant dense<0.000000e+00> : vector<4x1xf32>
      %dot_general3A_143 = tpu.matmul %mul3A_136, %get3A_141, %dot_general3A_142 {dimension_numbers = #tpu.dot_dimension_numbers<[1], [0], [0], [1], [0, 0, 1, 1], [], []>, transpose_lhs_hint = false} : vector<4x512xf32>, vector<512x1xf32>, vector<4x1xf32> -> vector<4x1xf32>
      %get3A_144 = arith.constant 2 : index
      %get3A_145 = arith.constant 0 : index
      %get3A_146 = arith.constant 0 : index
      %get3A_147 = vector.load %arg26[%get3A_144, %get3A_145, %get3A_146] : memref<4x1x1xf32, #tpu.memory_space<vmem>>, vector<1x1x1xf32>
      %get3A_148 = vector.shape_cast %get3A_147 : vector<1x1x1xf32> to vector<1x1xf32>
      %add3A_149 = vector.broadcast %get3A_148 : vector<1x1xf32> to vector<4x1xf32>
      %add3A_150 = arith.addf %dot_general3A_143, %add3A_149 : vector<4x1xf32>
      %get3A_151 = arith.constant 3 : index
      %get3A_152 = arith.constant 0 : index
      %get3A_153 = arith.constant 0 : index
      %get3A_154 = vector.load %arg23[%get3A_151, %get3A_152, %get3A_153] : memref<4x512x512xf32, #tpu.memory_space<vmem>>, vector<1x512x512xf32>
      %get3A_155 = vector.shape_cast %get3A_154 : vector<1x512x512xf32> to vector<512x512xf32>
      %dot_general3A_156 = arith.constant dense<0.000000e+00> : vector<4x512xf32>
      %dot_general3A_157 = tpu.matmul %get3A_27, %get3A_155, %dot_general3A_156 {dimension_numbers = #tpu.dot_dimension_numbers<[1], [0], [0], [1], [0, 0, 1, 1], [], []>, transpose_lhs_hint = false} : vector<4x512xf32>, vector<512x512xf32>, vector<4x512xf32> -> vector<4x512xf32>
      %get3A_158 = arith.constant 3 : index
      %get3A_159 = arith.constant 0 : index
      %get3A_160 = arith.constant 0 : index
      %get3A_161 = vector.load %arg24[%get3A_158, %get3A_159, %get3A_160] : memref<4x1x512xf32, #tpu.memory_space<vmem>>, vector<1x1x512xf32>
      %get3A_162 = vector.shape_cast %get3A_161 : vector<1x1x512xf32> to vector<1x512xf32>
      %add3A_163 = vector.broadcast %get3A_162 : vector<1x512xf32> to vector<4x512xf32>
      %add3A_164 = arith.addf %dot_general3A_157, %add3A_163 : vector<4x512xf32>
      %mul3A_165 = arith.constant 5.000000e-01 : f32
      %mul3A_166 = vector.broadcast %mul3A_165 : f32 to vector<4x512xf32>
      %mul3A_167 = arith.mulf %mul3A_166, %add3A_164 : vector<4x512xf32>
      %mul3A_168 = arith.constant 0.707106769 : f32
      %mul3A_169 = vector.broadcast %mul3A_168 : f32 to vector<4x512xf32>
      %mul3A_170 = arith.mulf %add3A_164, %mul3A_169 : vector<4x512xf32>
      %erf3A_171 = math.erf %mul3A_170 : vector<4x512xf32>
      %add3A_172 = arith.constant 1.000000e+00 : f32
      %add3A_173 = vector.broadcast %add3A_172 : f32 to vector<4x512xf32>
      %add3A_174 = arith.addf %add3A_173, %erf3A_171 : vector<4x512xf32>
      %mul3A_175 = arith.mulf %mul3A_167, %add3A_174 : vector<4x512xf32>
      %get3A_176 = arith.constant 3 : index
      %get3A_177 = arith.constant 0 : index
      %get3A_178 = arith.constant 0 : index
      %get3A_179 = vector.load %arg25[%get3A_176, %get3A_177, %get3A_178] : memref<4x512x1xf32, #tpu.memory_space<vmem>>, vector<1x512x1xf32>
      %get3A_180 = vector.shape_cast %get3A_179 : vector<1x512x1xf32> to vector<512x1xf32>
      %dot_general3A_181 = arith.constant dense<0.000000e+00> : vector<4x1xf32>
      %dot_general3A_182 = tpu.matmul %mul3A_175, %get3A_180, %dot_general3A_181 {dimension_numbers = #tpu.dot_dimension_numbers<[1], [0], [0], [1], [0, 0, 1, 1], [], []>, transpose_lhs_hint = false} : vector<4x512xf32>, vector<512x1xf32>, vector<4x1xf32> -> vector<4x1xf32>
      %get3A_183 = arith.constant 3 : index
      %get3A_184 = arith.constant 0 : index
      %get3A_185 = arith.constant 0 : index
      %get3A_186 = vector.load %arg26[%get3A_183, %get3A_184, %get3A_185] : memref<4x1x1xf32, #tpu.memory_space<vmem>>, vector<1x1x1xf32>
      %get3A_187 = vector.shape_cast %get3A_186 : vector<1x1x1xf32> to vector<1x1xf32>
      %add3A_188 = vector.broadcast %get3A_187 : vector<1x1xf32> to vector<4x1xf32>
      %add3A_189 = arith.addf %dot_general3A_182, %add3A_188 : vector<4x1xf32>
      %swap3A = arith.constant 0 : index
      %swap3A_190 = arith.constant 0 : index
      %swap3A_191 = vector.load %arg27[%swap3A, %swap3A_190] : memref<4x4xf32, #tpu.memory_space<vmem>>, vector<4x4xf32>
      tpu.vector_store %arg27[%swap3A, %swap3A_190], %add3A_35 {strides = array<i32>} : memref<4x4xf32, #tpu.memory_space<vmem>>, vector<4x4xf32>,
      %concatenate3A = tpu.concatenate %add3A_72, %add3A_111, %add3A_150, %add3A_189 in 1 : vector<4x1xf32>, vector<4x1xf32>, vector<4x1xf32>, vector<4x1xf32> -> vector<4x4xf32>
      %swap3A_192 = arith.constant 0 : index
      %swap3A_193 = arith.constant 0 : index
      %swap3A_194 = vector.load %arg28[%swap3A_192, %swap3A_193] : memref<4x4xf32, #tpu.memory_space<vmem>>, vector<4x4xf32>
      tpu.vector_store %arg28[%swap3A_192, %swap3A_193], %concatenate3A {strides = array<i32>} : memref<4x4xf32, #tpu.memory_space<vmem>>, vector<4x4xf32>,
    } else {
    }
    return
  }
  func.func @transform_0(%arg0: i32, %arg1: i32) -> (i32, i32, i32, i32) {
    %min3A = arith.constant 3 : i32
    %min3A_0 = arith.minsi %arg0, %min3A : i32
    %mul3A = arith.constant 4 : i32
    %mul3A_1 = arith.muli %arg1, %mul3A : i32
    %add3A = arith.constant 0 : i32
    %add3A_2 = arith.addi %mul3A_1, %add3A : i32
    %c0_i32 = arith.constant 0 : i32
    %c0_i32_3 = arith.constant 0 : i32
    %c0_i32_4 = arith.constant 0 : i32
    return %min3A_0, %add3A_2, %c0_i32, %c0_i32_3 : i32, i32, i32, i32
  }
  func.func @transform_1(%arg0: i32, %arg1: i32) -> (i32, i32, i32, i32) {
    %min3A = arith.constant 3 : i32
    %min3A_0 = arith.minsi %arg0, %min3A : i32
    %mul3A = arith.constant 4 : i32
    %mul3A_1 = arith.muli %arg1, %mul3A : i32
    %add3A = arith.constant 1 : i32
    %add3A_2 = arith.addi %mul3A_1, %add3A : i32
    %c0_i32 = arith.constant 0 : i32
    %c0_i32_3 = arith.constant 0 : i32
    %c0_i32_4 = arith.constant 0 : i32
    return %min3A_0, %add3A_2, %c0_i32, %c0_i32_3 : i32, i32, i32, i32
  }
  func.func @transform_2(%arg0: i32, %arg1: i32) -> (i32, i32, i32, i32) {
    %min3A = arith.constant 3 : i32
    %min3A_0 = arith.minsi %arg0, %min3A : i32
    %mul3A = arith.constant 4 : i32
    %mul3A_1 = arith.muli %arg1, %mul3A : i32
    %add3A = arith.constant 2 : i32
    %add3A_2 = arith.addi %mul3A_1, %add3A : i32
    %c0_i32 = arith.constant 0 : i32
    %c0_i32_3 = arith.constant 0 : i32
    %c0_i32_4 = arith.constant 0 : i32
    return %min3A_0, %add3A_2, %c0_i32, %c0_i32_3 : i32, i32, i32, i32
  }
  func.func @transform_3(%arg0: i32, %arg1: i32) -> (i32, i32, i32, i32) {
    %min3A = arith.constant 3 : i32
    %min3A_0 = arith.minsi %arg0, %min3A : i32
    %mul3A = arith.constant 4 : i32
    %mul3A_1 = arith.muli %arg1, %mul3A : i32
    %add3A = arith.constant 3 : i32
    %add3A_2 = arith.addi %mul3A_1, %add3A : i32
    %c0_i32 = arith.constant 0 : i32
    %c0_i32_3 = arith.constant 0 : i32
    %c0_i32_4 = arith.constant 0 : i32
    return %min3A_0, %add3A_2, %c0_i32, %c0_i32_3 : i32, i32, i32, i32
  }
  func.func @transform_4(%arg0: i32, %arg1: i32) -> (i32, i32, i32) {
    %sub3A = arith.constant 1 : i32
    %sub3A_0 = arith.subi %arg0, %sub3A : i32
    %max3A = arith.constant 0 : i32
    %max3A_1 = arith.maxsi %sub3A_0, %max3A : i32
    %c0_i32 = arith.constant 0 : i32
    %c0_i32_2 = arith.constant 0 : i32
    %c0_i32_3 = arith.constant 0 : i32
    return %max3A_1, %c0_i32, %c0_i32_2 : i32, i32, i32
  }
  func.func @transform_5(%arg0: i32, %arg1: i32) -> (i32, i32) {
    %c0_i32 = arith.constant 0 : i32
    %c0_i32_0 = arith.constant 0 : i32
    %c0_i32_1 = arith.constant 0 : i32
    return %c0_i32, %c0_i32_0 : i32, i32
  }
  func.func @transform_6(%arg0: i32, %arg1: i32) -> (i32, i32) {
    %c0_i32 = arith.constant 0 : i32
    %c0_i32_0 = arith.constant 0 : i32
    %c0_i32_1 = arith.constant 0 : i32
    return %c0_i32, %c0_i32_0 : i32, i32
  }
  func.func @transform_7(%arg0: i32, %arg1: i32) -> (i32, i32) {
    %c0_i32 = arith.constant 0 : i32
    %c0_i32_0 = arith.constant 0 : i32
    %c0_i32_1 = arith.constant 0 : i32
    return %c0_i32, %c0_i32_0 : i32, i32
  }
  func.func @transform_8(%arg0: i32, %arg1: i32) -> (i32, i32) {
    %c0_i32 = arith.constant 0 : i32
    %c0_i32_0 = arith.constant 0 : i32
    %c0_i32_1 = arith.constant 0 : i32
    return %c0_i32, %c0_i32_0 : i32, i32
  }
  func.func @transform_9(%arg0: i32, %arg1: i32) -> (i32, i32) {
    %c0_i32 = arith.constant 0 : i32
    %c0_i32_0 = arith.constant 0 : i32
    %c0_i32_1 = arith.constant 0 : i32
    return %c0_i32, %c0_i32_0 : i32, i32
  }
  func.func @transform_10(%arg0: i32, %arg1: i32) -> (i32, i32) {
    %c0_i32 = arith.constant 0 : i32
    %c0_i32_0 = arith.constant 0 : i32
    %c0_i32_1 = arith.constant 0 : i32
    return %c0_i32, %c0_i32_0 : i32, i32
  }
  func.func @transform_11(%arg0: i32, %arg1: i32) -> (i32, i32) {
    %c0_i32 = arith.constant 0 : i32
    %c0_i32_0 = arith.constant 0 : i32
    %c0_i32_1 = arith.constant 0 : i32
    return %c0_i32, %c0_i32_0 : i32, i32
  }
  func.func @transform_12(%arg0: i32, %arg1: i32) -> (i32, i32) {
    %c0_i32 = arith.constant 0 : i32
    %c0_i32_0 = arith.constant 0 : i32
    %c0_i32_1 = arith.constant 0 : i32
    return %c0_i32, %c0_i32_0 : i32, i32
  }
  func.func @transform_13(%arg0: i32, %arg1: i32) -> (i32, i32) {
    %c0_i32 = arith.constant 0 : i32
    %c0_i32_0 = arith.constant 0 : i32
    %c0_i32_1 = arith.constant 0 : i32
    return %c0_i32, %c0_i32_0 : i32, i32
  }
  func.func @transform_14(%arg0: i32, %arg1: i32) -> (i32, i32) {
    %c0_i32 = arith.constant 0 : i32
    %c0_i32_0 = arith.constant 0 : i32
    %c0_i32_1 = arith.constant 0 : i32
    return %c0_i32, %c0_i32_0 : i32, i32
  }
  func.func @transform_15(%arg0: i32, %arg1: i32) -> (i32, i32) {
    %c0_i32 = arith.constant 0 : i32
    %c0_i32_0 = arith.constant 0 : i32
    %c0_i32_1 = arith.constant 0 : i32
    return %c0_i32, %c0_i32_0 : i32, i32
  }
  func.func @transform_16(%arg0: i32, %arg1: i32) -> (i32, i32) {
    %c0_i32 = arith.constant 0 : i32
    %c0_i32_0 = arith.constant 0 : i32
    %c0_i32_1 = arith.constant 0 : i32
    return %c0_i32, %c0_i32_0 : i32, i32
  }
  func.func @transform_17(%arg0: i32, %arg1: i32) -> (i32, i32) {
    %c0_i32 = arith.constant 0 : i32
    %c0_i32_0 = arith.constant 0 : i32
    %c0_i32_1 = arith.constant 0 : i32
    return %c0_i32, %c0_i32_0 : i32, i32
  }
  func.func @transform_18(%arg0: i32, %arg1: i32) -> (i32, i32) {
    %c0_i32 = arith.constant 0 : i32
    %c0_i32_0 = arith.constant 0 : i32
    %c0_i32_1 = arith.constant 0 : i32
    return %c0_i32, %c0_i32_0 : i32, i32
  }
  func.func @transform_19(%arg0: i32, %arg1: i32) -> (i32, i32) {
    %c0_i32 = arith.constant 0 : i32
    %c0_i32_0 = arith.constant 0 : i32
    %c0_i32_1 = arith.constant 0 : i32
    return %c0_i32, %c0_i32_0 : i32, i32
  }
  func.func @transform_20(%arg0: i32, %arg1: i32) -> (i32, i32) {
    %c0_i32 = arith.constant 0 : i32
    %c0_i32_0 = arith.constant 0 : i32
    %c0_i32_1 = arith.constant 0 : i32
    return %c0_i32, %c0_i32_0 : i32, i32
  }
  func.func @transform_21(%arg0: i32, %arg1: i32) -> (i32, i32, i32) {
    %c0_i32 = arith.constant 0 : i32
    %c0_i32_0 = arith.constant 0 : i32
    %c0_i32_1 = arith.constant 0 : i32
    %c0_i32_2 = arith.constant 0 : i32
    return %c0_i32, %c0_i32_0, %c0_i32_1 : i32, i32, i32
  }
  func.func @transform_22(%arg0: i32, %arg1: i32) -> (i32, i32, i32) {
    %c0_i32 = arith.constant 0 : i32
    %c0_i32_0 = arith.constant 0 : i32
    %c0_i32_1 = arith.constant 0 : i32
    %c0_i32_2 = arith.constant 0 : i32
    return %c0_i32, %c0_i32_0, %c0_i32_1 : i32, i32, i32
  }
  func.func @transform_23(%arg0: i32, %arg1: i32) -> (i32, i32, i32) {
    %c0_i32 = arith.constant 0 : i32
    %c0_i32_0 = arith.constant 0 : i32
    %c0_i32_1 = arith.constant 0 : i32
    %c0_i32_2 = arith.constant 0 : i32
    return %c0_i32, %c0_i32_0, %c0_i32_1 : i32, i32, i32
  }
  func.func @transform_24(%arg0: i32, %arg1: i32) -> (i32, i32, i32) {
    %c0_i32 = arith.constant 0 : i32
    %c0_i32_0 = arith.constant 0 : i32
    %c0_i32_1 = arith.constant 0 : i32
    %c0_i32_2 = arith.constant 0 : i32
    return %c0_i32, %c0_i32_0, %c0_i32_1 : i32, i32, i32
  }
  func.func @transform_25(%arg0: i32, %arg1: i32) -> (i32, i32) {
    %c0_i32 = arith.constant 0 : i32
    %c0_i32_0 = arith.constant 0 : i32
    %c0_i32_1 = arith.constant 0 : i32
    return %c0_i32, %c0_i32_0 : i32, i32
  }
  func.func @transform_26(%arg0: i32, %arg1: i32) -> (i32, i32) {
    %c0_i32 = arith.constant 0 : i32
    %c0_i32_0 = arith.constant 0 : i32
    %c0_i32_1 = arith.constant 0 : i32
    return %c0_i32, %c0_i32_0 : i32, i32
  }
}

</mosaic_0001>

<sc_bundles>
// kernel: kernel.4.cloned.1.call-start
scs
__scs_entry_jumppad:
0x0: {  	(pc) =	sbr.rel $0x88, $3  }
0x1: {  	(tag) =	ssettag $0x0;
	lr =	simm.s32 $0x1  }
0x2: {  	[smem:$0x3F8B] =	sst lr;
	_ =	strace $0xD0000000  }
0x3: {  	_ = 	snop  }
0x4: {  	_ = 	snop  }
0x5: {  	_ = 	snop  }
0x6: {  	_ = 	snop  }
0x7: {  	_ = 	snop  }
__scs_overlays_trampoline_lowered:
0x8: {  	[smem:$0x3F9A] =	sst s0  }
0x9: {  	[smem:$0x3F9B] =	sst s1  }
0xa: {  	[smem:$0x3F9C] =	sst s2  }
0xb: {  	[smem:$0x3F9D] =	sst s3  }
0xc: {  	[smem:$0x3F9E] =	sst s4  }
0xd: {  	[smem:$0x3F9F] =	sst s5  }
0xe: {  	[smem:$0x3FA0] =	sst s6  }
0xf: {  	[smem:$0x3FA1] =	sst s7  }
0x10: {  	[smem:$0x3FA2] =	sst s8  }
0x11: {  	[smem:$0x3FA3] =	sst s9;
	s0 =	simm.s32 @!p0 $0x0  }
0x12: {  	s1 =	sld [smem:$0x3F89];
	s0 =	simm.s32 @p0 $0x1  }
0x13: {  	[smem:$0x3FA4] =	sst s0;
	s0 =	simm.s32 @!p1 $0x0  }
0x14: {  	s2 =	sld [smem:$0x3F88];
	s0 =	simm.s32 @p1 $0x1  }
0x15: {  	[smem:$0x3FA5] =	sst s0;
	s0 =	simm.s32 @!p2 $0x0  }
0x16: {  	s3 =	sld [smem:$0x3FDB];
	s0 =	simm.s32 @p2 $0x1  }
0x17: {  	s4 =	simm.s32 $0x1BF5;
	[smem:$0x3FA7] =	sst s0  }
0x18: {  	s0 =	sld [smem:$0x3F8A];
	_ =	swait.ge [sflag:s4], $0x0  }
0x19: {  	s7 =	sld [smem:$0x3F8B]  }
0x1a: {  	s8 =	sadd.s32 $0xFFFFE003, lr  }
0x1b: {  	s9 =	sadd.s32 $0xFFFFFEF7, lr;
	s5 =	simm.s32 $0xFFFFFFFF;
	p2 =	slt.u32 s8, $0xFFFFF086  }
0x1c: {  	p1 =	slt.u32 s9, $0xF7A;
	s5 =	simm.s32 @!p2 $0x0  }
0x1d: {  	s5 =	simm.s32 @p1 $0x1;
	p0 =	seq.s32 s7, s2  }
0x1e: {  	s7 =	smul.u32 @!p0 $0xF7A, s2;
	p2 =	seq.s32 @!p0 s5, $0x0  }
0x1f: {  	s9 =	smul.u32 $0xF7A, s1;
	s8 =	simm.s32 @!p0 $0x1BF5;
	p2 =	por !p2, p0  }
0x20: {  	[sflag:s8] =	ssyncset.s32 @!p0 $0xFFFFF086;
	s6 =	sadd.s32 @!p0 s3, s7;
	s7 =	simm.s32 @!p0 $0x108  }
0x21: {  	s3 =	sadd.s32 s3, s9;
	s6 =	sadd.s32 @!p0 $0x88, s6;
	s7 =	simm.s32 @p2 $0x1082  }
0x22: {  	[simem:s7], [sflag:s8] =	dma.local @!p0 [hbm:s6], $0xF7A  }
0x23: {  	s9 =	sor.u32 $0xD0000000, s2;
	s6 =	simm.s32 $0x108;
	_ =	swait.ge @!p0 [sflag:s8], $0x0  }
0x24: {  	s3 =	sadd.s32 $0x88, s3;
	s6 =	simm.s32 @!p1 $0x1082;
	[sflag:s4] =	ssyncset.s32 $0xFFFFF086  }
0x25: {  	[simem:s6], [sflag:s4] =	dma.local [hbm:s3], $0xF7A  }
0x26: {  	[smem:$0x3F8B] =	sst s1;
	(tag) =	ssettag s2;
	_ =	strace s9  }
0x27: {  	s1 =	sld [smem:$0x3F9B]  }
0x28: {  	s2 =	sld [smem:$0x3F9C]  }
0x29: {  	s4 =	sld [smem:$0x3F9E]  }
0x2a: {  	p0 =	seq.s32 s5, $0x0;
	s5 =	sld [smem:$0x3F9F]  }
0x2b: {  	s6 =	sld [smem:$0x3FA0]  }
0x2c: {  	s7 =	sld [smem:$0x3FA1]  }
0x2d: {  	s3 =	simm.s32 $0x108;
	s8 =	sld [smem:$0x3FA2]  }
0x2e: {  	s3 =	simm.s32 @!p0 $0x1082;
	s9 =	sld [smem:$0x3FA3]  }
0x2f: {  	lr =	sadd.s32 s0, s3;
	s0 =	sld [smem:$0x3F9A]  }
0x30: {  	s3 =	sld [smem:$0x3F9D]  }
0x31: {  	[smem:$0x3FA6] =	sst s10  }
0x32: {  	s10 =	sld [smem:$0x3FA4];
	_ =	sdelay $0x3  }
0x33: {  	p0 =	seq.s32 s10, $0x1;
	s10 =	sld [smem:$0x3FA6];
	_ =	sdelay $0x3  }
0x34: {  	[smem:$0x3FA6] =	sst s10  }
0x35: {  	s10 =	sld [smem:$0x3FA5];
	_ =	sdelay $0x3  }
0x36: {  	p1 =	seq.s32 s10, $0x1;
	s10 =	sld [smem:$0x3FA6];
	_ =	sdelay $0x3  }
0x37: {  	[smem:$0x3FA6] =	sst s10  }
0x38: {  	s10 =	sld [smem:$0x3FA7]  }
0x39: {  	_ = 	snop;
	(pc) =	sbr.ind lr, $3  }
0x3a: {  	_ = 	snop  }
0x3b: {  	_ = 	snop  }
0x3c: {  	p2 =	seq.s32 s10, $0x1;
	s10 =	sld [smem:$0x3FA6]  }
0x3d: {  	_ =	shalt  }
0x3e: {  	_ =	shalt  }
0x3f: {  	_ =	shalt  }
0x40: {  	_ =	shalt  }
0x41: {  	_ =	shalt  }
0x42: {  	_ =	shalt  }
0x43: {  	_ =	shalt  }
0x44: {  	_ =	shalt  }
0x45: {  	_ =	shalt  }
0x46: {  	_ =	shalt  }
0x47: {  	_ =	shalt  }
0x48: {  	_ =	shalt  }
0x49: {  	_ =	shalt  }
0x4a: {  	_ =	shalt  }
0x4b: {  	_ =	shalt  }
0x4c: {  	_ =	shalt  }
0x4d: {  	_ =	shalt  }
0x4e: {  	_ =	shalt  }
0x4f: {  	_ =	shalt  }
0x50: {  	_ =	shalt  }
0x51: {  	_ =	shalt  }
0x52: {  	_ =	shalt  }
0x53: {  	_ =	shalt  }
0x54: {  	_ =	shalt  }
0x55: {  	_ =	shalt  }
0x56: {  	_ =	shalt  }
0x57: {  	_ =	shalt  }
0x58: {  	_ =	shalt  }
0x59: {  	_ =	shalt  }
0x5a: {  	_ =	shalt  }
0x5b: {  	_ =	shalt  }
0x5c: {  	_ =	shalt  }
0x5d: {  	_ =	shalt  }
0x5e: {  	_ =	shalt  }
0x5f: {  	_ =	shalt  }
0x60: {  	_ =	shalt  }
0x61: {  	_ =	shalt  }
0x62: {  	_ =	shalt  }
0x63: {  	_ =	shalt  }
0x64: {  	_ =	shalt  }
0x65: {  	_ =	shalt  }
0x66: {  	_ =	shalt  }
0x67: {  	_ =	shalt  }
0x68: {  	_ =	shalt  }
0x69: {  	_ =	shalt  }
0x6a: {  	_ =	shalt  }
0x6b: {  	_ =	shalt  }
0x6c: {  	_ =	shalt  }
0x6d: {  	_ =	shalt  }
0x6e: {  	_ =	shalt  }
0x6f: {  	_ =	shalt  }
0x70: {  	_ =	shalt  }
0x71: {  	_ =	shalt  }
0x72: {  	_ =	shalt  }
0x73: {  	_ =	shalt  }
0x74: {  	_ =	shalt  }
0x75: {  	_ =	shalt  }
0x76: {  	_ =	shalt  }
0x77: {  	_ =	shalt  }
0x78: {  	_ =	shalt  }
0x79: {  	_ =	shalt  }
0x7a: {  	_ =	shalt  }
0x7b: {  	_ =	shalt  }
0x7c: {  	_ =	shalt  }
0x7d: {  	_ =	shalt  }
0x7e: {  	_ =	shalt  }
0x7f: {  	_ =	shalt  }
0x80: {  	_ =	shalt  }
0x81: {  	_ =	shalt  }
0x82: {  	_ =	shalt  }
0x83: {  	_ =	shalt  }
0x84: {  	_ =	shalt  }
0x85: {  	_ =	shalt  }
0x86: {  	_ =	shalt  }
0x87: {  	_ =	shalt  }
.Lfunc_end0:
.L_simem_size_0:
called_computation.1_lowered:
.L_overlay_start_0:
0x88: {  	s2 =	sld [smem:$0x3FD9]  }
0x89: {  	s3 =	sld [smem:$0x3FFE];
	_ =	sdelay $0x1  }
0x8a: {  	s1 =	srdreg.scid  }
0x8b: {  	s0 =	sand.u32 $0x1, s1  }
0x8c: {  	s17 =	sshll.u32 s0, $0xA;
	s2 =	sadd.s32 s3, s2  }
0x8d: {  	s2 =	sadd.s32 s2, s17  }
0x8e: {  	[smem:$0x3FB2] =	sst s2  }
0x8f: {  	_ = 	snop  }
0x90: {  	s2 =	sld [smem:$0x3FD0];
	(tm) =	ssettm $0x1  }
0x91: {  	s18 =	sld [smem:$0x3FFB];
	_ =	sdelay $0x3  }
0x92: {  	_ =	strace s18  }
0x93: {  	s3 =	sld [smem:$0x3FFC];
	_ =	sdelay $0x3  }
0x94: {  	_ =	strace s3  }
0x95: {  	s3 =	sld [smem:$0x3FFD];
	_ =	sdelay $0x3  }
0x96: {  	_ =	strace s3  }
0x97: {  	_ =	strace $0x8FFFFFFF  }
0x98: {  	s19 =	sld [smem:$0x3FDB];
	_ =	sdelay $0x1  }
0x99: {  	s4 =	simm.s32 $_scs_section_size  }
0x9a: {  	s5 =	simm.s32 $_size__tile_overlayer_lowered;
	s6 =	simm.s32 $_tile_overlayer_lowered  }
0x9b: {  	s22 =	simm.s32 $0x1BFF;
	s21 =	sshll.u32 s6, $0x1;
	s3 =	sadd.s32 s4, s19  }
0x9c: {  	s7 =	simm.s32 $0x0;
	s20 =	sshll.u32 s5, $0x1;
	s5 =	sadd.s32 s21, s3  }
0x9d: {  	[timem:s7], [sflag:s22] =	dma.local [hbm:s5], s20  }
0x9e: {  	_ =	swait.ge [sflag:s22], s20  }
0x9f: {  	s4 =	ssub.s32 $0x0, s20;
	[sflag:s22] =	ssyncset.done $0x0  }
0xa0: {  	[sflag:s22] =	ssyncadd.s32 s4;
	_ =	sdelay $0x1  }
0xa1: {  	s23 =	simm.s32 $0x1B8B  }
0xa2: {  	_ =	swait.ge [sflag:s23], $0x1  }
0xa3: {  	[sflag:s23] =	ssyncset.done $0x0  }
0xa4: {  	s25 =	simm.s32 $0x1B8E;
	s24 =	sld [smem:$0x3FFE];
	[sflag:s23] =	ssyncadd.s32 $0xFFFFFFFF  }
0xa5: {  	s26 =	simm.s32 $execute0_lowered;
	[smem:$0x3FD2] =	sst s25  }
0xa6: {  	s5 =	sshll.u32 s26, $0x1;
	_ =	strace $0x80000049;
	[dreg:$0x1] =	wrdreg $0xFFFFFFFF  }
0xa7: {  	s28 =	simm.s32 $_size_execute0_lowered;
	s3 =	sadd.s32 s3, s5;
	[dreg:$0x0] =	wrdreg $0x0  }
0xa8: {  	s5 =	sshll.u32 s28, $0x1;
	[dreg:$0x2] =	wrdreg s3  }
0xa9: {  	[dreg:$0x3] =	wrdreg s5  }
0xaa: {  	[dreg:$0x4] =	wrdreg $0xC0  }
0xab: {  	_ =	task [dreg:s7], $0x5FFFF  }
0xac: {  	[dreg:$0x1] =	wrdreg $0xFFFFFFFF  }
0xad: {  	[dreg:$0x0] =	wrdreg $0x60  }
0xae: {  	[dreg:$0x2] =	wrdreg s2  }
0xaf: {  	[dreg:$0x3] =	wrdreg s24  }
0xb0: {  	[dreg:$0x4] =	wrdreg $0x9  }
0xb1: {  	_ =	task.clear_ibuf [dreg:s7], $0x5FFFF;
	_ =	strace $0x90000049  }
0xb2: {  	s29 =	simm.s32 $0x9;
	_ =	strace $0x8000004B  }
0xb3: {  	_ =	swait.ge [sflag:s29], $0x1  }
0xb4: {  	[sflag:s29] =	ssyncadd.s32 $0xFFFFFFFF  }
0xb5: {  	_ =	strace $0x9000004B  }
0xb6: {  	_ =	sfence  }
0xb7: {  	s30 =	sld [smem:$0x0];
	_ =	sdelay $0x2  }
0xb8: {  	s31 =	sshll.u32 s1, $0xD;
	s1 =	sshrl.u32 s1, $0x2  }
0xb9: {  	s3 =	sand.u32 $0x4000, s31;
	s1 =	sadd.s32 s1, s30  }
0xba: {  	s0 =	sor.u32 s3, s0;
	s1 =	sshll.u32 s1, $0x11  }
0xbb: {  	s0 =	sor.u32 s1, s0  }
0xbc: {  	s0 =	sadd.s32 $0x8F2B, s0  }
0xbd: {  	[sflag:s0] =	ssyncadd.remote.s32 $0x1  }
0xbe: {  	_ =	sfence.sel $0xFFFF  }
0xbf: {  	[dreg:$0x0] =	wrdreg $0xFFFFFFFF;
	(pc) =	sbr.abs _section_cstart, $3  }
0xc0: {  	[dreg:$0x1] =	wrdreg $0xFFFFFFFF  }
0xc1: {  	_ =	task.clear_ibuf [dreg:s7], $0x2FFFF;
	_ =	strace $0x9FFFFFFF  }
0xc2: {  	(tm) =	ssettm $0x7FFFFFFF  }
0xc3: {  	_ =	shalt  }
tec
execute0_lowered:
.L_overlay_start_1:
0x0: {  	(tag) =	ssettag $0x1  }
0x1: {  	s0 =	srdreg.scid  }
0x2: {  	s8 =	sand.u32 $0x1, s0;
	s0 =	stileid.u32  }
0x3: {  	s3 =	sor.u32 s0, s8  }
0x4: {  	p0 =	sne.s32 s3, $0x0  }
.Ltmp0:
0x5: {  	_ = 	snop;
	(pc) =	sbr.rel @p0 .LBB2_4-.Ltmp0, $4  }
0x6: {  	_ = 	snop  }
0x7: {  	s2 =	rddreg [dreg:$0x0]  }
0x8: {  	s7 =	rddreg [dreg:$0x1]  }
0x9: {  	s1 =	rddreg [dreg:$0x2];
	_ =	strace $0x8000004A  }
0xa: {  	s4 =	simm.s32 $0x0;
	s3 =	simm.s32 $0x1  }
0xb: {  	[tilespmem:s4], [sflag:$0x1] =	stream.linear.gather [hbm4b:s2+s4], $0x80, $0x38;
	[tilespmem:$0x180] =	vst v63  }
0xc: {  	_ =	swait.ge [sflag:s3], $0x80  }
0xd: {  	[sflag:s3] =	ssyncset.done $0x0  }
0xe: {  	s5 =	sadd.s32 $0x3E00, s7;
	s6 =	simm.s32 $0x80;
	[sflag:s3] =	ssyncadd.s32 $0xFFFFFF80  }
0xf: {  	[tilespmem:s6], [sflag:$0x1] =	stream.linear.gather [hbm4b:s5+s4], $0x80, $0x38;
	[tilespmem:$0x180] =	vst v63  }
0x10: {  	v0 =	vimm.s32 $0xEFCDAB89;
	v1 =	vimm.s32 $0x67452301;
	_ =	swait.ge [sflag:s3], $0x80  }
0x11: {  	v0 =	vunpack.c.l.s4.s8 v0;
	v1 =	vunpack.c.l.s4.s8 v1;
	[sflag:s3] =	ssyncset.done $0x0  }
0x12: {  	v2 =	vimm.s32 $0xDCFE98BA;
	[sflag:s3] =	ssyncadd.s32 $0xFFFFFF80  }
0x13: {  	v3 =	vimm.s32 $0x54761032;
	v0 =	vunpack.c.0.s8.s32 v0;
	v1 =	vunpack.c.0.s8.s32 v1;
	v4 =	vld [tilespmem:$0x0]  }
0x14: {  	v2 =	vunpack.c.l.s4.s8 v2;
	v3 =	vunpack.c.l.s4.s8 v3  }
0x15: {  	v0 =	vcombine.low v1, v0  }
0x16: {  	v1 =	vunpack.c.0.s8.s32 v2;
	v2 =	vunpack.c.0.s8.s32 v3  }
0x17: {  	v0 =	vand.u32 $0xF, v0  }
0x18: {  	v1 =	vcombine.low v2, v1;
	v2 =	vperm.xlane v4, v0;
	_ =	sdelay $0x1  }
0x19: {  	v1 =	vand.u32 $0xF, v1;
	v2 =	vmax.f32 v4, v2  }
0x1a: {  	v3 =	vperm.xlane v2, v1;
	_ =	sdelay $0x1  }
0x1b: {  	v2 =	vmax.f32 v2, v3  }
0x1c: {  	v2 =	vsub.f32 v4, v2;
	_ =	sdelay $0x1  }
0x1d: {  	v2 =	vmul.f32 $1.442695020e+00, v2;
	_ =	sdelay $0x1  }
0x1e: {  	(erf) = vpow2.f32 v2;
	_ =	sdelay $0x8  }
0x1f: {  	v2 =	vpop (erf)  }
0x20: {  	v3 =	vperm.xlane v2, v0;
	_ =	sdelay $0x1  }
0x21: {  	v3 =	vadd.f32 v2, v3;
	_ =	sdelay $0x1  }
0x22: {  	v4 =	vperm.xlane v3, v1;
	_ =	sdelay $0x1  }
0x23: {  	v3 =	vadd.f32 v3, v4;
	_ =	sdelay $0x1  }
0x24: {  	(erf) = vrcp.f32 v3;
	_ =	sdelay $0x8  }
0x25: {  	v3 =	vpop (erf)  }
0x26: {  	v3 =	vmul.f32 v3, v2;
	_ =	sdelay $0x1  }
0x27: {  	v2 =	vperm.xlane v3, v0;
	_ =	sdelay $0x1  }
0x28: {  	v2 =	vmin.f32 v3, v2  }
0x29: {  	v4 =	vperm.xlane v2, v1;
	_ =	sdelay $0x1  }
0x2a: {  	v4 =	vmin.f32 v2, v4  }
0x2b: {  	v2 =	vlaneseq.u32;
	vm0 =	vle.f32 v3, v4  }
0x2c: {  	v4 =	vnsel vm0, $0xFFFFFFFF, v2  }
0x2d: {  	v5 =	vperm.xlane v4, v0;
	_ =	sdelay $0x1  }
0x2e: {  	v6 =	vld [tilespmem:$0x80];
	vm0 =	vgt.s32 v4, v5  }
0x2f: {  	v4 =	vsel vm0, v4, v5  }
0x30: {  	v5 =	vperm.xlane v4, v1;
	_ =	sdelay $0x1  }
0x31: {  	vm0 =	vgt.s32 v4, v5  }
0x32: {  	v3 =	vmul.f32 v3, v6;
	v4 =	vsel vm0, v4, v5  }
0x33: {  	vm0 =	veq.s32 v4, v2  }
0x34: {  	v3 =	vsel vm0, $0x0, v3  }
0x35: {  	v4 =	vperm.xlane v3, v0;
	_ =	sdelay $0x1  }
0x36: {  	v4 =	vadd.f32 v3, v4;
	_ =	sdelay $0x1  }
0x37: {  	v5 =	vperm.xlane v4, v1  }
0x38: {  	s8 =	ssub.s32 $0x2, s8;
	v3 =	vand.u32 $0x3, v2  }
0x39: {  	s9 =	sshrl.u32 s8, $0x1;
	v3 =	vmul.u32 $0x4, v3;
	v4 =	vadd.f32 v4, v5  }
0x3a: {  	s9 =	ssub.s32 s8, s9  }
0x3b: {  	p0 =	sne.s32 s9, $0x1;
	v4 =	vperm.xlane v4, v3  }
.Ltmp1:
0x3c: {  	_ = 	snop;
	(pc) =	sbr.rel @!p0 .LBB2_3-.Ltmp1, $4  }
0x3d: {  	s7 =	sadd.s32 $0x4000, s7;
	s8 =	simm.s32 $0x100;
	[tilespmem:$0x100] =	vst v4  }
0x3e: {  	[hbm4b:s7+s4] =	stream.linear.scatter [tilespmem:s8], [sflag:$0x1], $0x80, $0x38;
	[tilespmem:$0x180] =	vst v63  }
0x3f: {  	_ =	swait.ge [sflag:s3], $0x80  }
0x40: {  	s9 =	sadd.s32 $0xFFFFFFFF, s9;
	[sflag:s3] =	ssyncset.done $0x0  }
.LBB2_2:
0x41: {  	p0 =	sne.s32 s9, $0x1;
	s9 =	sadd.s32 $0xFFFFFFFF, s9;
	[sflag:s3] =	ssyncadd.s32 $0xFFFFFF80  }
0x42: {  	[tilespmem:s4], [sflag:$0x1] =	stream.linear.gather [hbm4b:s2+s4], $0x80, $0x38;
	[tilespmem:$0x180] =	vst v63  }
0x43: {  	_ =	swait.ge [sflag:s3], $0x80  }
0x44: {  	[sflag:s3] =	ssyncset.done $0x0  }
0x45: {  	[sflag:s3] =	ssyncadd.s32 $0xFFFFFF80  }
0x46: {  	[tilespmem:s6], [sflag:$0x1] =	stream.linear.gather [hbm4b:s5+s4], $0x80, $0x38;
	[tilespmem:$0x180] =	vst v63  }
0x47: {  	_ =	swait.ge [sflag:s3], $0x80  }
0x48: {  	[sflag:s3] =	ssyncset.done $0x0  }
0x49: {  	[sflag:s3] =	ssyncadd.s32 $0xFFFFFF80  }
0x4a: {  	v4 =	vld [tilespmem:$0x0];
	_ =	sdelay $0x4  }
0x4b: {  	v5 =	vperm.xlane v4, v0;
	_ =	sdelay $0x1  }
0x4c: {  	v5 =	vmax.f32 v4, v5  }
0x4d: {  	v6 =	vperm.xlane v5, v1;
	_ =	sdelay $0x1  }
0x4e: {  	v5 =	vmax.f32 v5, v6  }
0x4f: {  	v4 =	vsub.f32 v4, v5;
	_ =	sdelay $0x1  }
0x50: {  	v4 =	vmul.f32 $1.442695020e+00, v4;
	_ =	sdelay $0x1  }
0x51: {  	(erf) = vpow2.f32 v4;
	_ =	sdelay $0x8  }
0x52: {  	v4 =	vpop (erf)  }
0x53: {  	v5 =	vperm.xlane v4, v0;
	_ =	sdelay $0x1  }
0x54: {  	v5 =	vadd.f32 v4, v5;
	_ =	sdelay $0x1  }
0x55: {  	v6 =	vperm.xlane v5, v1;
	_ =	sdelay $0x1  }
0x56: {  	v5 =	vadd.f32 v5, v6;
	_ =	sdelay $0x1  }
0x57: {  	(erf) = vrcp.f32 v5;
	_ =	sdelay $0x8  }
0x58: {  	v5 =	vpop (erf)  }
0x59: {  	v4 =	vmul.f32 v5, v4;
	_ =	sdelay $0x1  }
0x5a: {  	v5 =	vperm.xlane v4, v0;
	_ =	sdelay $0x1  }
0x5b: {  	v5 =	vmin.f32 v4, v5  }
0x5c: {  	v6 =	vperm.xlane v5, v1;
	_ =	sdelay $0x1  }
0x5d: {  	v5 =	vmin.f32 v5, v6  }
0x5e: {  	vm0 =	vle.f32 v4, v5  }
0x5f: {  	v5 =	vnsel vm0, $0xFFFFFFFF, v2  }
0x60: {  	v6 =	vperm.xlane v5, v0;
	_ =	sdelay $0x1  }
0x61: {  	v7 =	vld [tilespmem:$0x80];
	vm0 =	vgt.s32 v5, v6  }
0x62: {  	v5 =	vsel vm0, v5, v6  }
0x63: {  	v6 =	vperm.xlane v5, v1;
	_ =	sdelay $0x1  }
0x64: {  	vm0 =	vgt.s32 v5, v6  }
0x65: {  	v5 =	vsel vm0, v5, v6;
	v4 =	vmul.f32 v4, v7  }
0x66: {  	vm0 =	veq.s32 v5, v2  }
0x67: {  	v4 =	vsel vm0, $0x0, v4  }
0x68: {  	v5 =	vperm.xlane v4, v0;
	_ =	sdelay $0x1  }
0x69: {  	v4 =	vadd.f32 v4, v5;
	_ =	sdelay $0x1  }
0x6a: {  	v5 =	vperm.xlane v4, v1;
	_ =	sdelay $0x1  }
0x6b: {  	v4 =	vadd.f32 v4, v5;
	_ =	sdelay $0x1  }
0x6c: {  	v4 =	vperm.xlane v4, v3  }
.Ltmp2:
0x6d: {  	(pc) =	sbr.rel @p0 .LBB2_2-.Ltmp2, $4  }
0x6e: {  	[tilespmem:$0x100] =	vst v4  }
0x6f: {  	[hbm4b:s7+s4] =	stream.linear.scatter [tilespmem:s8], [sflag:$0x1], $0x80, $0x38;
	[tilespmem:$0x180] =	vst v63  }
0x70: {  	_ =	swait.ge [sflag:s3], $0x80  }
0x71: {  	[sflag:s3] =	ssyncset.done $0x0  }
.LBB2_3:
0x72: {  	[sflag:s3] =	ssyncadd.s32 $0xFFFFFF80  }
.LBB2_4:
0x73: {  	_ =	sfence.sel $0x180000  }
0x74: {  	[bflag:$0x0] =	sbarrier.arrive $0xFFFF  }
0x75: {  	p0 =	sne.s32 s0, $0x0;
	_ =	strace $0x9000004A  }
0x76: {  	s0 =	sadd.s32 @!p0 $0x100000, s1;
	[bflag:$0x2] =	sbarrier.arrive $0xFFFF  }
0x77: {  	[sflag:s0] =	ssyncadd.tile.s32 @!p0 $0x1;
	_ =	shalt  }
.Lfunc_end2:
_tile_overlayer_lowered:
.L_overlay_start_2:
0x78: {  	(tag) =	ssettag $0x2  }
0x79: {  	s0 =	rddreg [dreg:$0x0];
	s2 =	stileid.u32  }
0x7a: {  	s1 =	rddreg [dreg:$0x1];
	p0 =	sne.s32 s2, $0x0  }
0x7b: {  	s3 =	rddreg [dreg:$0x2];
	[bflag:$0x3] =	sbarrier.arrive $0xFFFF;
	s2 =	simm.s32 @!p0 $0x1C01  }
0x7c: {  	[timem:s3], [sflag:s2] =	dma.local @!p0 [hbm:s0], s1  }
0x7d: {  	s0 =	simm.s32 @!p0 $0x1  }
0x7e: {  	_ =	swait.ge @!p0 [sflag:s0], s1  }
0x7f: {  	s1 =	ssub.s32 @!p0 $0x0, s1;
	[sflag:s0] =	ssyncset.done @!p0 $0x0  }
0x80: {  	[sflag:s0] =	ssyncadd.s32 @!p0 s1  }
0x81: {  	[bflag:$0x3] =	sbarrier.arrive $0xFFFF  }
0x82: {  	_ =	shalt  }

// kernel: sparse-core-data-format-call.cloned.1.call-start
scs
called_computation_lowered:
.L_overlay_start_0:
0x0: {  	s2 =	sld [smem:$0x3FD9]  }
0x1: {  	s3 =	sld [smem:$0x3FFE];
	_ =	sdelay $0x1  }
0x2: {  	s1 =	srdreg.scid  }
0x3: {  	s0 =	sand.u32 $0x1, s1  }
0x4: {  	s18 =	sshll.u32 s0, $0xA;
	s2 =	sadd.s32 s3, s2  }
0x5: {  	s2 =	sadd.s32 s2, s18  }
0x6: {  	[smem:$0x3FB2] =	sst s2  }
0x7: {  	_ = 	snop  }
0x8: {  	s2 =	sld [smem:$0x3FC9];
	(tm) =	ssettm $0x1  }
0x9: {  	s19 =	sld [smem:$0x3FFB];
	_ =	sdelay $0x3  }
0xa: {  	_ =	strace s19  }
0xb: {  	s3 =	sld [smem:$0x3FFC];
	_ =	sdelay $0x3  }
0xc: {  	_ =	strace s3  }
0xd: {  	s3 =	sld [smem:$0x3FFD];
	_ =	sdelay $0x3  }
0xe: {  	_ =	strace s3  }
0xf: {  	_ =	strace $0x8FFFFFFF  }
0x10: {  	s20 =	sld [smem:$0x3FDB];
	_ =	sdelay $0x1  }
0x11: {  	s4 =	simm.s32 $_scs_section_size  }
0x12: {  	s5 =	simm.s32 $_size__tile_overlayer_lowered;
	s6 =	simm.s32 $_tile_overlayer_lowered  }
0x13: {  	s23 =	simm.s32 $0x1BFF;
	s22 =	sshll.u32 s6, $0x1;
	s3 =	sadd.s32 s4, s20  }
0x14: {  	s7 =	simm.s32 $0x0;
	s21 =	sshll.u32 s5, $0x1;
	s5 =	sadd.s32 s22, s3  }
0x15: {  	[timem:s7], [sflag:s23] =	dma.local [hbm:s5], s21  }
0x16: {  	_ =	swait.ge [sflag:s23], s21  }
0x17: {  	s4 =	ssub.s32 $0x0, s21;
	[sflag:s23] =	ssyncset.done $0x0  }
0x18: {  	[sflag:s23] =	ssyncadd.s32 s4;
	_ =	sdelay $0x1  }
0x19: {  	s24 =	simm.s32 $0x1B8B  }
0x1a: {  	_ =	swait.ge [sflag:s24], $0x1  }
0x1b: {  	[sflag:s24] =	ssyncset.done $0x0  }
0x1c: {  	s26 =	simm.s32 $0x1B8E;
	s25 =	sld [smem:$0x3FFE];
	[sflag:s24] =	ssyncadd.s32 $0xFFFFFFFF  }
0x1d: {  	s27 =	simm.s32 $execute0_lowered;
	[smem:$0x3FD2] =	sst s26  }
0x1e: {  	s5 =	sshll.u32 s27, $0x1;
	_ =	strace $0x80000046;
	[dreg:$0x1] =	wrdreg $0xFFFFFFFF  }
0x1f: {  	s28 =	simm.s32 $_size_execute0_lowered;
	s3 =	sadd.s32 s3, s5;
	[dreg:$0x0] =	wrdreg $0x0  }
0x20: {  	s5 =	sshll.u32 s28, $0x1;
	[dreg:$0x2] =	wrdreg s3  }
0x21: {  	[dreg:$0x3] =	wrdreg s5  }
0x22: {  	[dreg:$0x4] =	wrdreg $0xC0  }
0x23: {  	_ =	task [dreg:s7], $0x5FFFF  }
0x24: {  	[dreg:$0x1] =	wrdreg $0xFFFFFFFF  }
0x25: {  	[dreg:$0x0] =	wrdreg $0x60  }
0x26: {  	[dreg:$0x2] =	wrdreg s2  }
0x27: {  	[dreg:$0x3] =	wrdreg s25  }
0x28: {  	[dreg:$0x4] =	wrdreg $0x9  }
0x29: {  	_ =	task.clear_ibuf [dreg:s7], $0x5FFFF;
	_ =	strace $0x90000046  }
0x2a: {  	s29 =	simm.s32 $0x9;
	_ =	strace $0x80000048  }
0x2b: {  	_ =	swait.ge [sflag:s29], $0x1  }
0x2c: {  	[sflag:s29] =	ssyncadd.s32 $0xFFFFFFFF  }
0x2d: {  	_ =	strace $0x90000048  }
0x2e: {  	_ =	sfence  }
0x2f: {  	s30 =	sld [smem:$0x0];
	_ =	sdelay $0x2  }
0x30: {  	s31 =	sshll.u32 s1, $0xD;
	s1 =	sshrl.u32 s1, $0x2  }
0x31: {  	s3 =	sand.u32 $0x4000, s31;
	s1 =	sadd.s32 s1, s30  }
0x32: {  	s0 =	sor.u32 s3, s0;
	s1 =	sshll.u32 s1, $0x11  }
0x33: {  	s0 =	sor.u32 s1, s0  }
0x34: {  	s0 =	sadd.s32 $0x8F2B, s0  }
0x35: {  	[sflag:s0] =	ssyncadd.remote.s32 $0x1  }
0x36: {  	_ =	sfence.sel $0xFFFF  }
0x37: {  	[dreg:$0x0] =	wrdreg $0xFFFFFFFF;
	(pc) =	sbr.abs _section_cstart, $3  }
0x38: {  	[dreg:$0x1] =	wrdreg $0xFFFFFFFF  }
0x39: {  	_ =	task.clear_ibuf [dreg:s7], $0x2FFFF;
	_ =	strace $0x9FFFFFFF  }
0x3a: {  	(tm) =	ssettm $0x7FFFFFFF  }
0x3b: {  	_ =	shalt  }
tec
execute0_lowered:
.L_overlay_start_1:
0x0: {  	(tag) =	ssettag $0x1  }
0x1: {  	s0 =	srdreg.scid  }
0x2: {  	s3 =	rddreg [dreg:$0x0];
	s1 =	sshll.u32 s0, $0x4  }
0x3: {  	s6 =	rddreg [dreg:$0x1];
	s0 =	stileid.u32;
	s1 =	sand.u32 $0x10, s1  }
0x4: {  	s7 =	simm.s32 $0x2;
	s16 =	simm.s32 $0x0;
	s1 =	sor.u32 s0, s1  }
0x5: {  	s8 =	simm.s32 $0xC00;
	s9 =	simm.s32 $0x0;
	s2 =	sshll.u32 s1, $0x1  }
0x6: {  	s15 =	simm.s32 $0x0;
	s18 =	simm.s32 $0x0;
	s1 =	ssub.s32 $0x200, s2  }
0x7: {  	s17 =	simm.s32 $0x0;
	s10 =	simm.s32 $0x0;
	s4 =	sand.u32 $0x3E, s1  }
0x8: {  	s11 =	simm.s32 $0x0;
	p0 =	sne.s32 s4, $0x0;
	s4 =	simm.s32 $0x1  }
.Ltmp0:
0x9: {  	s5 =	sshrl.u32 s1, $0x6;
	s4 =	simm.s32 @!p0 $0x0;
	(pc) =	sbr.rel .LBB1_1-.Ltmp0, $4  }
0xa: {  	s12 =	simm.s32 $0x0;
	s1 =	rddreg [dreg:$0x2];
	s5 =	sadd.s32 s4, s5  }
0xb: {  	_ =	strace $0x80000047;
	s4 =	simm.s32 $0x1;
	s5 =	smul.u32 $0x3, s5  }
0xc: {  	s14 =	simm.s32 $0x0;
	s6 =	sadd.s32 $0x3E00, s6;
	[sflag:s4] =	ssyncpa.u1 $0x0  }
0xd: {  	s13 =	smov.u32 s2;
	[sflag:s7] =	ssyncpa.u1 $0x0;
	s7 =	sadd.s32 $0x1, s5  }
.LBB1_9:
0xe: {  	s19 =	sadd.s32 $0x80, s10  }
0xf: {  	s15 =	sadd.s32 $0x8, s11;
	s20 =	smov.u32 s11;
	p1 =	sgt.s32 s19, $0x17F  }
0x10: {  	s20 =	smov.u32 @p1 s15  }
0x11: {  	s21 =	smov.u32 s12;
	s15 =	sadd.s32 $0x8, s12;
	p2 =	sgt.s32 s20, $0x7  }
0x12: {  	s21 =	smov.u32 @p2 s15  }
0x13: {  	s22 =	smov.u32 s13;
	s15 =	sadd.s32 $0x40, s13;
	p3 =	sgt.s32 s21, $0x7  }
0x14: {  	p0 =	slt.u32 s14, $0x2;
	s22 =	smov.u32 @p3 s15  }
0x15: {  	s16 =	smov.u32 s10;
	s19 =	simm.s32 @p1 $0x0;
	p1 =	sgt.s32 s22, $0x1FF  }
0x16: {  	s23 =	simm.s32 @!p0 $0x2;
	s22 =	smov.u32 @p1 s2;
	p1 =	sne.s32 s14, s7  }
.Ltmp1:
0x17: {  	s18 =	smov.u32 s12;
	_ =	swait.ge @!p0 [sflag:s23], $0x4000;
	(pc) =	sbr.rel @!p1 .LBB1_10-.Ltmp1, $4  }
0x18: {  	s17 =	smov.u32 s13;
	s9 =	sadd.s32 $0x4000, s9;
	[sflag:s23] =	ssyncset.done @!p0 $0x0  }
0x19: {  	s10 =	smov.u32 s19;
	s20 =	simm.s32 @p2 $0x0;
	[sflag:s23] =	ssyncadd.s32 @!p0 $0xFFFFC000  }
0x1a: {  	s21 =	simm.s32 @p3 $0x0;
	s15 =	smov.u32 s11;
	s11 =	smov.u32 s20  }
0x1b: {  	s12 =	smov.u32 s21;
	s14 =	sadd.s32 $0x1, s14;
	s13 =	smov.u32 s22  }
.LBB1_1:
0x1c: {  	p0 =	sge.u32 s14, s5  }
0x1d: {  	s19 =	sshrl.u32 @!p0 s11, $0x3  }
0x1e: {  	s20 =	sshll.u32 @!p0 s10, $0x3;
	s19 =	smul.u32 @!p0 $0xC00, s19  }
0x1f: {  	s21 =	sshll.u32 @!p0 s11, $0x7;
	s20 =	sand.u32 @!p0 $0xFFFFFC00, s20  }
0x20: {  	s19 =	sadd.s32 @!p0 s19, s20;
	s20 =	sand.u32 @!p0 $0x380, s21  }
0x21: {  	s21 =	sand.u32 @!p0 $0x7F, s10;
	s19 =	sor.u32 @!p0 s20, s19  }
0x22: {  	s20 =	sor.u32 @!p0 s21, s19  }
0x23: {  	s21 =	smulhi.u32 @!p0 $0xAAAAAAAB, s20  }
0x24: {  	s19 =	smulhi.u32 @!p0 $0xAAAAAAAB, s19  }
0x25: {  	s31 =	sadd.s32 $0xFFFFFFFF, s14;
	s23 =	smul.u32 @!p0 $0xC00, s13;
	s21 =	sshrl.u32 @!p0 s21, $0x8  }
0x26: {  	s22 =	sxor.u32 @!p0 $0xFFFFFFFF, s14;
	s19 =	sshrl.u32 @!p0 s19, $0x8;
	s21 =	smul.u32 @!p0 $0x180, s21  }
0x27: {  	s24 =	smul.u32 @!p0 $0x180, s12;
	s22 =	sshll.u32 @!p0 s22, $0xE;
	s19 =	sand.u32 @!p0 $0x7, s19  }
0x28: {  	s19 =	smul.u32 @!p0 $0x30, s19;
	s20 =	ssub.s32 @!p0 s20, s21;
	s21 =	sadd.s32 @!p0 s3, s23  }
0x29: {  	s22 =	sand.u32 @!p0 $0x4000, s22;
	s21 =	sadd.s32 @!p0 s24, s21;
	s23 =	sand.u32 @!p0 $0x7, s20  }
0x2a: {  	s20 =	sshrl.u32 @!p0 s20, $0x3;
	s19 =	sadd.s32 @!p0 s19, s21;
	s21 =	sshll.u32 @!p0 s23, $0x12  }
0x2b: {  	s19 =	sadd.s32 @!p0 s20, s19;
	s20 =	sor.u32 @!p0 $0x400, s21;
	s21 =	simm.s32 @!p0 $0xC00  }
0x2c: {  	[tilespmem:s22], [sflag:$0x1] =	stream.strided.gather @!p0 [hbm4b:s19+s20], $0x4000, s21, s20, $0x38;
	[tilespmem:$0x10000] =	vst v63  }
0x2d: {  	p0 =	sge.u32 s31, s5  }
.Ltmp2:
0x2e: {  	_ = 	snop;
	(pc) =	sbr.rel @p0 .LBB1_9-.Ltmp2, $1  }
0x2f: {  	_ =	sdelay $0x3  }
0x30: {  	s19 =	sshll.u32 s9, $0x2  }
0x31: {  	_ =	swait.ge [sflag:s4], $0x4000;
	s20 =	sshll.u32 s14, $0xE;
	s22 =	simm.s32 $0x0  }
0x32: {  	p1 =	por $0x1, $0x1;
	s19 =	sand.u32 $0x10000, s19;
	[sflag:s4] =	ssyncset.done $0x0  }
0x33: {  	s20 =	sand.u32 $0x4000, s20;
	s21 =	sshrl.u32 s19, $0x2;
	[sflag:s4] =	ssyncadd.s32 $0xFFFFC000  }
0x34: {  	s19 =	sor.u32 $0x8000, s20;
	s20 =	sadd.s32 $0x8040, s21;
	s21 =	sadd.s32 $0x40, s21  }
.LBB1_3:
0x35: {  	s22 =	sshll.u32 s22, $0x2  }
0x36: {  	p0 =	por p1, p1;
	s23 =	sshra.s32 s22, $0x2  }
0x37: {  	s24 =	simm.s32 $0x0;
	s22 =	sadd.s32 s23, s20;
	s23 =	sadd.s32 s23, s21  }
.LBB1_4:
0x38: {  	v0 =	vmov s23;
	_ =	sdelay $0x3  }
0x39: {  	s26 =	simm.s32 $0x0  }
0x3a: {  	v6 =	vld.idx.msk [tilespmem:v0+s26+$0x30 ss:$0x1], $0xffff  }
0x3b: {  	v7 =	vld.idx.msk [tilespmem:v0+s26+$0xFFFFFFC0 ss:$0x1], $0xffff  }
0x3c: {  	v5 =	vld.idx.msk [tilespmem:v0+s26+$0xFFFFFFD0 ss:$0x1], $0xffff  }
0x3d: {  	v4 =	vld.idx.msk [tilespmem:v0+s26+$0xFFFFFFE0 ss:$0x1], $0xffff  }
0x3e: {  	v3 =	vld.idx.msk [tilespmem:v0+s26+$0xFFFFFFF0 ss:$0x1], $0xffff  }
0x3f: {  	v1 =	vld.idx.msk [tilespmem:v0+s26+$0x0 ss:$0x1], $0xffff  }
0x40: {  	v2 =	vld.idx.msk [tilespmem:v0+s26+$0x10 ss:$0x1], $0xffff;
	[tilespmem:s22+$0x30] =	vst v6  }
0x41: {  	s25 =	simm.s32 $0x80;
	s27 =	simm.s32 $0x400;
	[tilespmem:s22+$0xFFFFFFC0] =	vst v7;
	v6 =	vld.idx.msk [tilespmem:v0+s26+$0x20 ss:$0x1], $0xffff;
	s26 =	smov.u32 s22  }
.LBB1_5:
0x42: {  	p1 =	sne.s32 s27, $0xE00;
	v7 =	vld.idx.msk [tilespmem:v0+s25+$0x30 ss:$0x1], $0xffff;
	[tilespmem:s26+$0xFFFFFFD0] =	vst v5  }
0x43: {  	v8 =	vld.idx.msk [tilespmem:v0+s25+$0xFFFFFFC0 ss:$0x1], $0xffff;
	[tilespmem:s26+$0xFFFFFFE0] =	vst v4  }
0x44: {  	v5 =	vld.idx.msk [tilespmem:v0+s25+$0xFFFFFFD0 ss:$0x1], $0xffff;
	[tilespmem:s26+$0xFFFFFFF0] =	vst v3  }
.Ltmp3:
0x45: {  	v4 =	vld.idx.msk [tilespmem:v0+s25+$0xFFFFFFE0 ss:$0x1], $0xffff;
	[tilespmem:s26+$0x0] =	vst v1;
	(pc) =	sbr.rel @p1 .LBB1_5-.Ltmp3, $4  }
0x46: {  	v3 =	vld.idx.msk [tilespmem:v0+s25+$0xFFFFFFF0 ss:$0x1], $0xffff;
	[tilespmem:s26+$0x10] =	vst v2  }
0x47: {  	v1 =	vld.idx.msk [tilespmem:v0+s25+$0x0 ss:$0x1], $0xffff;
	[tilespmem:s26+$0x20] =	vst v6;
	s26 =	sadd.s32 $0x400, s26  }
0x48: {  	v2 =	vld.idx.msk [tilespmem:v0+s25+$0x10 ss:$0x1], $0xffff;
	[tilespmem:s26+$0x30] =	vst v7  }
0x49: {  	[tilespmem:s26+$0xFFFFFFC0] =	vst v8;
	v6 =	vld.idx.msk [tilespmem:v0+s25+$0x20 ss:$0x1], $0xffff;
	s25 =	sshra.s32 s27, $0x2;
	s27 =	sadd.s32 $0x200, s27  }
0x4a: {  	_ =	sdelay $0x2  }
0x4b: {  	[tilespmem:s26+$0xFFFFFFD0] =	vst v5  }
0x4c: {  	v56 =	vld.idx.msk [tilespmem:v0+s25+$0x30 ss:$0x1], $0xffff;
	[tilespmem:s26+$0xFFFFFFE0] =	vst v4  }
0x4d: {  	v57 =	vld.idx.msk [tilespmem:v0+s25+$0xFFFFFFC0 ss:$0x1], $0xffff;
	[tilespmem:s26+$0xFFFFFFF0] =	vst v3  }
0x4e: {  	v58 =	vld.idx.msk [tilespmem:v0+s25+$0xFFFFFFD0 ss:$0x1], $0xffff;
	[tilespmem:s26+$0x0] =	vst v1  }
0x4f: {  	v59 =	vld.idx.msk [tilespmem:v0+s25+$0xFFFFFFE0 ss:$0x1], $0xffff;
	[tilespmem:s26+$0x10] =	vst v2  }
0x50: {  	v60 =	vld.idx.msk [tilespmem:v0+s25+$0xFFFFFFF0 ss:$0x1], $0xffff;
	s31 =	sadd.s32 $0x400, s26;
	[tilespmem:s26+$0x20] =	vst v6  }
0x51: {  	v61 =	vld.idx.msk [tilespmem:v0+s25+$0x0 ss:$0x1], $0xffff;
	[tilespmem:s31+$0x30] =	vst v56  }
0x52: {  	v62 =	vld.idx.msk [tilespmem:v0+s25+$0x10 ss:$0x1], $0xffff;
	s24 =	sadd.s32 $0x1, s24;
	[tilespmem:s31+$0xFFFFFFC0] =	vst v57  }
0x53: {  	v63 =	vld.idx.msk [tilespmem:v0+s25+$0x20 ss:$0x1], $0xffff;
	p1 =	sne.s32 s24, $0x8;
	[tilespmem:s31+$0xFFFFFFD0] =	vst v58  }
.Ltmp4:
0x54: {  	[tilespmem:s31+$0xFFFFFFE0] =	vst v59;
	(pc) =	sbr.rel @p1 .LBB1_4-.Ltmp4, $4  }
0x55: {  	[tilespmem:s31+$0xFFFFFFF0] =	vst v60  }
0x56: {  	[tilespmem:s31+$0x0] =	vst v61  }
0x57: {  	[tilespmem:s31+$0x10] =	vst v62  }
0x58: {  	s22 =	sadd.s32 $0x80, s22;
	s23 =	sadd.s32 $0x400, s23;
	[tilespmem:s31+$0x20] =	vst v63  }
.Ltmp5:
0x59: {  	(pc) =	sbr.rel @p0 .LBB1_3-.Ltmp5, $2  }
0x5a: {  	_ =	sdelay $0x2  }
0x5b: {  	s22 =	simm.s32 $0x2000;
	p1 =	por $0x0, $0x0  }
0x5c: {  	s20 =	sshrl.u32 s18, $0x3  }
0x5d: {  	s21 =	sshll.u32 s16, $0x3;
	s20 =	smul.u32 $0xC00, s20  }
0x5e: {  	s27 =	sshll.u32 s18, $0x7;
	s21 =	sand.u32 $0xFFFFFC00, s21  }
0x5f: {  	s18 =	sand.u32 $0x380, s27;
	s20 =	sadd.s32 s20, s21  }
0x60: {  	s28 =	sand.u32 $0x7F, s16;
	s18 =	sor.u32 s18, s20  }
0x61: {  	s16 =	sor.u32 s28, s18;
	s18 =	smulhi.u32 $0xAAAAAAAB, s18  }
0x62: {  	s29 =	smulhi.u32 $0xAAAAAAAB, s16  }
0x63: {  	s17 =	smul.u32 $0xC00, s17  }
0x64: {  	s15 =	smul.u32 $0x180, s15;
	s18 =	sshrl.u32 s18, $0x8;
	s20 =	sshrl.u32 s29, $0x8  }
0x65: {  	s18 =	sand.u32 $0x7, s18;
	s20 =	smul.u32 $0x180, s20  }
0x66: {  	s18 =	smul.u32 $0x30, s18  }
.Ltmp6:
0x67: {  	s17 =	sadd.s32 s6, s17;
	s16 =	ssub.s32 s16, s20;
	(pc) =	sbr.rel .LBB1_9-.Ltmp6, $4  }
0x68: {  	s15 =	sadd.s32 s15, s17;
	s30 =	sand.u32 $0x7, s16  }
0x69: {  	s15 =	sadd.s32 s18, s15;
	s16 =	sshrl.u32 s16, $0x3;
	s17 =	sshll.u32 s30, $0x12  }
0x6a: {  	s15 =	sadd.s32 s16, s15;
	s31 =	sor.u32 $0x400, s17  }
0x6b: {  	[hbm4b:s15+s31] =	stream.strided.scatter [tilespmem:s19], [sflag:$0x2], $0x4000, s8, s31, $0x38;
	[tilespmem:$0x10000] =	vst v63  }
.LBB1_10:
0x6c: {  	_ =	sfence.sel $0x180000  }
0x6d: {  	s2 =	simm.s32 $0x1;
	[bflag:$0x0] =	sbarrier.arrive $0xFFFF  }
0x6e: {  	s31 =	simm.s32 $0x2;
	[sflag:s2] =	ssyncpa.u1 $0x1  }
0x6f: {  	[sflag:s31] =	ssyncpa.u1 $0x1  }
0x70: {  	p0 =	sne.s32 s0, $0x0;
	_ =	strace $0x90000047  }
0x71: {  	s0 =	sadd.s32 @!p0 $0x100000, s1;
	[bflag:$0x2] =	sbarrier.arrive $0xFFFF  }
0x72: {  	[sflag:s0] =	ssyncadd.tile.s32 @!p0 $0x1;
	_ =	shalt  }
.Lfunc_end1:
_tile_overlayer_lowered:
.L_overlay_start_2:
0x73: {  	(tag) =	ssettag $0x2  }
0x74: {  	s0 =	rddreg [dreg:$0x0];
	s2 =	stileid.u32  }
0x75: {  	s1 =	rddreg [dreg:$0x1];
	p0 =	sne.s32 s2, $0x0  }
0x76: {  	s3 =	rddreg [dreg:$0x2];
	[bflag:$0x3] =	sbarrier.arrive $0xFFFF;
	s2 =	simm.s32 @!p0 $0x1C01  }
0x77: {  	[timem:s3], [sflag:s2] =	dma.local @!p0 [hbm:s0], s1  }
0x78: {  	s0 =	simm.s32 @!p0 $0x1  }
0x79: {  	_ =	swait.ge @!p0 [sflag:s0], s1  }
0x7a: {  	s1 =	ssub.s32 @!p0 $0x0, s1;
	[sflag:s0] =	ssyncset.done @!p0 $0x0  }
0x7b: {  	[sflag:s0] =	ssyncadd.s32 @!p0 s1  }
0x7c: {  	[bflag:$0x3] =	sbarrier.arrive $0xFFFF  }
0x7d: {  	_ =	shalt  }

</sc_bundles>
